<compile_context>
chip_gen: v7x
topology: tpu7x:2x2x1
jax: 0.10.2.dev20260603
libtpu: 0.0.44.dev20260713+nightly
codegen_flags: <defaults>
</compile_context>

<pallas_src>
import dataclasses
import functools

import jax
import jax.numpy as jnp
from jax import lax
from jax.experimental import pallas as pl
from jax.experimental.pallas import tpu as pltpu
from jax.experimental.pallas import tpu_sc as plsc

N = 10000
D = 128
H = 2
DH = D // H
E = 320000
NPAD = 10240
BLK = 256
NBLK = NPAD // BLK
EPS = 1e-5

NC = 2
NS = 16
NW = NC * NS
EP = E // NW
C = 125
NPH = 2
NCH2 = EP // (NPH * C)
RPT = NPAD // NS

_sc_mesh = plsc.VectorSubcoreMesh(core_axis_name="c", subcore_axis_name="s")
_sc_cp = pltpu.CompilerParams()
if "needs_layout_passes" in pltpu.CompilerParams.__dataclass_fields__:
    _sc_cp = dataclasses.replace(_sc_cp, needs_layout_passes=False)


@functools.partial(
    pl.kernel,
    out_type=jax.ShapeDtypeStruct((NC, NPAD), jnp.float32),
    mesh=_sc_mesh,
    compiler_params=_sc_cp,
    scratch_types=[pltpu.VMEM((EP,), jnp.int32),
                   pltpu.VMEM((NPAD,), jnp.float32),
                   pltpu.VMEM((NS, RPT), jnp.float32),
                   pltpu.VMEM((RPT,), jnp.float32),
                   pltpu.VMEM_SHARED((NS, NPAD), jnp.float32)],
)
def _k_deg(edge_hbm, degp_hbm, dst_v, deg_v, blk_v, acc_v, shared):
    c = lax.axis_index("c")
    s = lax.axis_index("s")
    wid = c * NS + s
    pltpu.sync_copy(edge_hbm.at[1, wid], dst_v)

    @pl.loop(0, NPAD, step=16)
    def _(i):
        deg_v[pl.ds(i, 16)] = jnp.zeros((16,), jnp.float32)

    ones = jnp.ones((16,), jnp.float32)

    @pl.loop(0, EP, step=16)
    def _(e):
        plsc.addupdate_scatter(deg_v, [dst_v[pl.ds(e, 16)]], ones)

    pltpu.sync_copy(deg_v, shared.at[s])
    plsc.subcore_barrier()
    pltpu.sync_copy(shared.at[:, pl.ds(s * RPT, RPT)], blk_v)

    @pl.loop(0, RPT, step=16)
    def _(i):
        tot = blk_v[0, pl.ds(i, 16)]
        for j in range(1, NS):
            tot = tot + blk_v[j, pl.ds(i, 16)]
        acc_v[pl.ds(i, 16)] = tot

    pltpu.sync_copy(acc_v, degp_hbm.at[c, pl.ds(s * RPT, RPT)])


@functools.partial(
    pl.kernel,
    out_type=jax.ShapeDtypeStruct((NC, NPAD, D), jnp.float32),
    mesh=_sc_mesh,
    compiler_params=_sc_cp,
    scratch_types=[pltpu.VMEM((NCH2, C), jnp.int32),
                   pltpu.VMEM((NCH2, C), jnp.int32),
                   pltpu.VMEM((C, D), jnp.float32),
                   pltpu.VMEM((C, D), jnp.float32),
                   pltpu.VMEM_SHARED((NPAD, D), jnp.float32),
                   pltpu.SemaphoreType.DMA,
                   pltpu.SemaphoreType.DMA],
)
def _k_msg(edge_hbm, y_hbm, sp_hbm,
           src_v, dst_v, rows_a, rows_b, shared, sem_a, sem_b):
    c = lax.axis_index("c")
    s = lax.axis_index("s")
    wid = c * NS + s

    @pl.loop(0, 64)
    def _(i):
        @pl.loop(0, D, step=16)
        def _(j):
            rows_a[i, pl.ds(j, 16)] = jnp.zeros((16,), jnp.float32)

    @pl.loop(0, RPT, step=64)
    def _(t):
        pltpu.sync_copy(rows_a.at[pl.ds(0, 64)],
                        shared.at[pl.ds(s * RPT + t, 64)])

    plsc.subcore_barrier()

    for ph in range(NPH):
        pltpu.sync_copy(edge_hbm.at[0, wid, ph], src_v)
        pltpu.sync_copy(edge_hbm.at[1, wid, ph], dst_v)
        pltpu.async_copy(y_hbm.at[src_v.at[0]], rows_a, sem_a)

        @pl.loop(0, NCH2, step=2)
        def _(j):
            pltpu.make_async_copy(y_hbm.at[src_v.at[j]], rows_a, sem_a).wait()
            pltpu.async_copy(y_hbm.at[src_v.at[j + 1]], rows_b, sem_b)
            pltpu.sync_copy(rows_a, shared.at[dst_v.at[j]], add=True)
            pltpu.make_async_copy(y_hbm.at[src_v.at[j]], rows_b, sem_b).wait()

            @pl.when(j + 2 < NCH2)
            def _():
                pltpu.async_copy(y_hbm.at[src_v.at[j + 2]], rows_a, sem_a)

            pltpu.sync_copy(rows_b, shared.at[dst_v.at[j + 1]], add=True)

    plsc.subcore_barrier()
    pltpu.sync_copy(shared.at[pl.ds(s * RPT, RPT)],
                    sp_hbm.at[c, pl.ds(s * RPT, RPT)])


def _ln(x, g, b):
    m = jnp.mean(x, axis=-1, keepdims=True)
    v = jnp.mean((x - m) ** 2, axis=-1, keepdims=True)
    return (x - m) * jax.lax.rsqrt(v + EPS) * g + b


def _dotT(x, w):
    return jax.lax.dot_general(x, w, (((1,), (1,)), ((), ())),
                               preferred_element_type=jnp.float32)


def _dinv_col(degp):
    deg = degp[0, :] + degp[1, :] + 1.0
    return jax.lax.rsqrt(deg)[:, None]


def _prescale_body(h_ref, degp_ref, g_ref, b_ref, w_ref, y_ref):
    x = _ln(h_ref[...], g_ref[...], b_ref[...])
    y_ref[...] = _dotT(x, w_ref[...]) * _dinv_col(degp_ref[...])


_row_spec = pl.BlockSpec((BLK, D), lambda i: (i, 0))
_full_vec = pl.BlockSpec((D,), lambda i: (0,))
_full_mat = pl.BlockSpec((D, D), lambda i: (0, 0))
_degp_spec = pl.BlockSpec((2, BLK), lambda i: (0, i))

_k_prescale = pl.pallas_call(
    _prescale_body,
    grid=(NBLK,),
    in_specs=[_row_spec, _degp_spec, _full_vec, _full_vec, _full_mat],
    out_specs=_row_spec,
    out_shape=jax.ShapeDtypeStruct((NPAD, D), jnp.float32),
)


def _qkv_body(h_ref, y_ref, s0_ref, s1_ref, degp_ref, gb_ref,
              g2_ref, b2_ref, wq_ref, wk_ref, wv_ref,
              bq_ref, bk_ref, bv_ref,
              h1_ref, q_ref, k_ref, v_ref):
    h1 = (h_ref[...] + gb_ref[...]
          + _dinv_col(degp_ref[...]) * (s0_ref[0] + s1_ref[0] + y_ref[...]))
    h1_ref[...] = h1
    x = _ln(h1, g2_ref[...], b2_ref[...]).astype(jnp.bfloat16)
    q = _dotT(x, wq_ref[...].astype(jnp.bfloat16)) + bq_ref[...]
    k = _dotT(x, wk_ref[...].astype(jnp.bfloat16)) + bk_ref[...]
    v = _dotT(x, wv_ref[...].astype(jnp.bfloat16)) + bv_ref[...]
    q = (q * (0.125 * 1.4426950408889634)).astype(jnp.bfloat16)
    k = k.astype(jnp.bfloat16)
    ri = pl.program_id(0) * BLK + jax.lax.broadcasted_iota(jnp.int32, (BLK, 1), 0)
    v = jnp.where(ri < N, v, 0.0).astype(jnp.bfloat16)
    q_ref[0, ...] = q[:, :DH]
    q_ref[1, ...] = q[:, DH:]
    k_ref[0, ...] = k[:, :DH]
    k_ref[1, ...] = k[:, DH:]
    v_ref[0, ...] = v[:, :DH]
    v_ref[1, ...] = v[:, DH:]


_k_qkv = pl.pallas_call(
    _qkv_body,
    grid=(NBLK,),
    in_specs=[_row_spec, _row_spec,
              pl.BlockSpec((1, BLK, D), lambda i: (0, i, 0)),
              pl.BlockSpec((1, BLK, D), lambda i: (1, i, 0)),
              _degp_spec,
              _full_vec, _full_vec, _full_vec,
              _full_mat, _full_mat, _full_mat,
              _full_vec, _full_vec, _full_vec],
    out_specs=[_row_spec] + [pl.BlockSpec((H, BLK, DH), lambda i: (0, i, 0))] * 3,
    out_shape=([jax.ShapeDtypeStruct((NPAD, D), jnp.float32)]
               + [jax.ShapeDtypeStruct((H, NPAD, DH), jnp.bfloat16)] * 3),
)


TAIL = 256
BLKA = 400


def _attnpost_body(q_ref, k_ref, v_ref, h1_ref, wo_ref, bo_ref,
                   g3_ref, b3_ref, w1_ref, b1_ref, w2_ref, b2_ref, o_ref):
    col = jax.lax.broadcasted_iota(jnp.int32, (BLKA, TAIL), 1)
    heads = []
    for hh in range(H):
        s = jax.lax.dot_general(q_ref[hh], k_ref[hh], (((1,), (1,)), ((), ())),
                                preferred_element_type=jnp.float32)
        p = jnp.exp2(s)
        l = jnp.sum(p, axis=-1, keepdims=True)
        tail = p[:, NPAD - TAIL:]
        tl = jnp.sum(jnp.where(col >= N - (NPAD - TAIL), tail, 0.0),
                     axis=-1, keepdims=True)
        o = jnp.dot(p.astype(jnp.bfloat16), v_ref[hh],
                    preferred_element_type=jnp.float32)
        heads.append((o / (l - tl)).astype(jnp.bfloat16))
    a = jnp.concatenate(heads, axis=-1)
    h2 = (h1_ref[...] + _dotT(a, wo_ref[...].astype(jnp.bfloat16))
          + bo_ref[...])
    x = _ln(h2, g3_ref[...], b3_ref[...]).astype(jnp.bfloat16)
    t = jnp.maximum(_dotT(x, w1_ref[...].astype(jnp.bfloat16))
                    + b1_ref[...], 0.0).astype(jnp.bfloat16)
    o_ref[...] = h2 + _dotT(t, w2_ref[...].astype(jnp.bfloat16)) + b2_ref[...]


_k_attnpost = pl.pallas_call(
    _attnpost_body,
    grid=(N // BLKA,),
    in_specs=[pl.BlockSpec((H, BLKA, DH), lambda i: (0, i, 0)),
              pl.BlockSpec((H, NPAD, DH), lambda i: (0, 0, 0)),
              pl.BlockSpec((H, NPAD, DH), lambda i: (0, 0, 0)),
              pl.BlockSpec((BLKA, D), lambda i: (i, 0)),
              _full_mat, _full_vec, _full_vec, _full_vec,
              pl.BlockSpec((2 * D, D), lambda i: (0, 0)),
              pl.BlockSpec((2 * D,), lambda i: (0,)),
              pl.BlockSpec((D, 2 * D), lambda i: (0, 0)),
              _full_vec],
    out_specs=pl.BlockSpec((BLKA, D), lambda i: (i, 0)),
    out_shape=jax.ShapeDtypeStruct((N, D), jnp.float32),
)


def kernel(h, edge_index, gcn_W, gcn_b, ln1_g, ln1_b, ln2_g, ln2_b, ln3_g,
           ln3_b, Wq, Wk, Wv, bq, bk, bv, Wo, bo, W1, b1, W2, b2):
    hp = jnp.pad(h, ((0, NPAD - N), (0, 0)))
    e3 = edge_index.reshape(2, NW, EP)
    e5 = edge_index.reshape(2, NW, NPH, NCH2, C)

    degp = _k_deg(e3)
    y = _k_prescale(hp, degp, ln1_g, ln1_b, gcn_W)
    sp = _k_msg(e5, y)

    h1, q, k, v = _k_qkv(hp, y, sp, sp, degp, gcn_b, ln2_g, ln2_b,
                         Wq, Wk, Wv, bq, bk, bv)
    return _k_attnpost(q, k, v, h1, Wo, bo, ln3_g, ln3_b, W1, b1, W2, b2)

# --- scband reference (transcript-rebuilt; emitter-appended) ---
"""Pipeline reference for scband-graph-gpslayer-78383153152257 (READ-ONLY COPY).

The authoritative reference and input builder live on the scoring server;
editing this copy changes nothing except your own understanding.
"""

import jax, jax.numpy as jnp
import numpy as np

N = 10000
D = 128
H = 2
E = 320000


def _ln(x, g, b, eps=1e-5):
    m = jnp.mean(x, axis=-1, keepdims=True)
    v = jnp.mean((x - m) ** 2, axis=-1, keepdims=True)
    return (x - m) / jnp.sqrt(v + eps) * g + b


def setup_inputs(seed: int = 0):
    key = jax.random.key(seed)
    ks = jax.random.split(key, 16)

    def w(k, shape, fan_in):
        return jax.random.normal(k, shape, dtype=jnp.float32) / np.sqrt(fan_in)

    return {
        "h": jax.random.normal(ks[0], (N, D), dtype=jnp.float32),
        "edge_index": jax.random.randint(ks[1], (2, E), 0, N, dtype=jnp.int32),
        "gcn_W": w(ks[2], (D, D), D),
        "gcn_b": jnp.zeros((D,), dtype=jnp.float32),
        "ln1_g": jnp.ones((D,), dtype=jnp.float32),
        "ln1_b": jnp.zeros((D,), dtype=jnp.float32),
        "ln2_g": jnp.ones((D,), dtype=jnp.float32),
        "ln2_b": jnp.zeros((D,), dtype=jnp.float32),
        "ln3_g": jnp.ones((D,), dtype=jnp.float32),
        "ln3_b": jnp.zeros((D,), dtype=jnp.float32),
        "Wq": w(ks[3], (D, D), D),
        "Wk": w(ks[4], (D, D), D),
        "Wv": w(ks[5], (D, D), D),
        "bq": jnp.zeros((D,), dtype=jnp.float32),
        "bk": jnp.zeros((D,), dtype=jnp.float32),
        "bv": jnp.zeros((D,), dtype=jnp.float32),
        "Wo": w(ks[6], (D, D), D),
        "bo": jnp.zeros((D,), dtype=jnp.float32),
        "W1": w(ks[7], (2 * D, D), D),
        "b1": jnp.zeros((2 * D,), dtype=jnp.float32),
        "W2": w(ks[8], (D, 2 * D), 2 * D),
        "b2": jnp.zeros((D,), dtype=jnp.float32),
    }


def reference(h, edge_index, gcn_W, gcn_b, ln1_g, ln1_b, ln2_g, ln2_b, ln3_g, ln3_b,
              Wq, Wk, Wv, bq, bk, bv, Wo, bo, W1, b1, W2, b2):
    # --- Block 1: local GCN (GCNConv with self-loops + symmetric norm) ---
    res = h
    x = _ln(h, ln1_g, ln1_b)
    loop = jnp.arange(N, dtype=edge_index.dtype)
    src = jnp.concatenate([edge_index[0], loop])
    dst = jnp.concatenate([edge_index[1], loop])
    deg = jnp.zeros((N,), dtype=x.dtype).at[dst].add(1.0)
    dinv = jnp.where(deg > 0, 1.0 / jnp.sqrt(deg), 0.0)
    norm = dinv[src] * dinv[dst]
    xw = x @ gcn_W.T
    msg = xw[src] * norm[:, None]
    h_local = jnp.zeros((N, D), dtype=x.dtype).at[dst].add(msg) + gcn_b
    h = res + h_local
    # --- Block 2: global multi-head self-attention over all nodes ---
    res = h
    x = _ln(h, ln2_g, ln2_b)
    dh = D // H
    q = (x @ Wq.T + bq).reshape(N, H, dh).transpose(1, 0, 2)
    k = (x @ Wk.T + bk).reshape(N, H, dh).transpose(1, 0, 2)
    v = (x @ Wv.T + bv).reshape(N, H, dh).transpose(1, 0, 2)
    scores = (q @ k.transpose(0, 2, 1)) / np.sqrt(dh)
    p = jax.nn.softmax(scores, axis=-1)
    attn = (p @ v).transpose(1, 0, 2).reshape(N, D)
    h_global = attn @ Wo.T + bo
    h = res + h_global
    # --- Block 3: FFN ---
    res = h
    x = _ln(h, ln3_g, ln3_b)
    h_ffn = jax.nn.relu(x @ W1.T + b1) @ W2.T + b2
    return res + h_ffn

if __name__ == "__main__":
    import jax
    _d = setup_inputs()
    print(jax.jit(kernel)(*tuple(_d.values())))

</pallas_src>

<mosaic_0001>
#map = affine_map<(d0, d1) -> (0, 0, 0)>
#map1 = affine_map<(d0, d1) -> (0, 0)>
module attributes {stable_mosaic.version = 14 : i64} {
  func.func @_k_deg(%arg0: i32, %arg1: i32, %arg2: memref<2x32x10000xi32, #tpu.memory_space<hbm>>, %arg3: memref<2x10240xf32, #tpu.memory_space<hbm>>, %arg4: memref<10000xi32, #tpu.memory_space<vmem>>, %arg5: memref<10240xf32, #tpu.memory_space<vmem>>, %arg6: memref<16x640xf32, #tpu.memory_space<vmem>>, %arg7: memref<640xf32, #tpu.memory_space<vmem>>, %arg8: memref<16x10240xf32, #tpu.memory_space<vmem_shared>>) attributes {dimension_semantics = [#tpu.dimension_semantics<core_parallel>, #tpu.dimension_semantics<subcore_parallel>], iteration_bounds = array<i64: 2, 16>, scalar_prefetch = 0 : i64, scratch_operands = 5 : i64, tpu.core_type = #tpu.core_type<sc_vector_subcore>, window_params = [{transform_indices = #map}, {transform_indices = #map1}]} {
    %mul3A = arith.constant 16 : i32
    %mul3A_0 = arith.muli %arg0, %mul3A : i32
    %add3A = arith.addi %mul3A_0, %arg1 : i32
    %run_scoped3A = arith.constant 1 : i32
    "tpu.region"() ({
      %run_scoped3A_20 = tpu.sem_alloc : memref<!tpu.dma_semaphore, #tpu.memory_space<semaphore_mem>>
      %dma_start3A = arith.constant 0 : i32
      %dma_start3A_21 = tpu.memref_slice %arg2[%run_scoped3A, %add3A, %dma_start3A] : memref<2x32x10000xi32, #tpu.memory_space<hbm>> -> memref<1x1x10000xi32, #tpu.memory_space<hbm>>
      %dma_start3A_22 = tpu.memref_squeeze %dma_start3A_21 : memref<1x1x10000xi32, #tpu.memory_space<hbm>> -> memref<10000xi32, #tpu.memory_space<hbm>>
      %dma_start3A_23 = arith.constant 0 : i32
      %dma_start3A_24 = tpu.memref_slice %arg2[%run_scoped3A, %add3A, %dma_start3A_23] : memref<2x32x10000xi32, #tpu.memory_space<hbm>> -> memref<1x1x10000xi32, #tpu.memory_space<hbm>>
      %dma_start3A_25 = tpu.memref_squeeze %dma_start3A_24 : memref<1x1x10000xi32, #tpu.memory_space<hbm>> -> memref<10000xi32, #tpu.memory_space<hbm>>
      tpu.enqueue_dma source(%dma_start3A_25 : memref<10000xi32, #tpu.memory_space<hbm>>) target(%arg4 : memref<10000xi32, #tpu.memory_space<vmem>>) target_semaphore(%run_scoped3A_20 : memref<!tpu.dma_semaphore, #tpu.memory_space<semaphore_mem>>)
      %dma_wait3A = arith.constant 0 : i32
      %dma_wait3A_26 = tpu.memref_slice %arg2[%run_scoped3A, %add3A, %dma_wait3A] : memref<2x32x10000xi32, #tpu.memory_space<hbm>> -> memref<1x1x10000xi32, #tpu.memory_space<hbm>>
      %dma_wait3A_27 = tpu.memref_squeeze %dma_wait3A_26 : memref<1x1x10000xi32, #tpu.memory_space<hbm>> -> memref<10000xi32, #tpu.memory_space<hbm>>
      %dma_wait3A_28 = arith.constant 0 : i32
      %dma_wait3A_29 = tpu.memref_slice %arg2[%run_scoped3A, %add3A, %dma_wait3A_28] : memref<2x32x10000xi32, #tpu.memory_space<hbm>> -> memref<1x1x10000xi32, #tpu.memory_space<hbm>>
      %dma_wait3A_30 = tpu.memref_squeeze %dma_wait3A_29 : memref<1x1x10000xi32, #tpu.memory_space<hbm>> -> memref<10000xi32, #tpu.memory_space<hbm>>
      tpu.wait_dma2 semaphore(%run_scoped3A_20 : memref<!tpu.dma_semaphore, #tpu.memory_space<semaphore_mem>>) src(%dma_wait3A_30 : memref<10000xi32, #tpu.memory_space<hbm>>) dst(%arg4 : memref<10000xi32, #tpu.memory_space<vmem>>)
      tpu.yield
    }) : () -> ()
    %scan3A = arith.constant 0 : i32
    %scan3A_1 = arith.constant 640 : i32
    %scan3A_2 = arith.addi %scan3A, %scan3A_1 : i32
    %scan3A_3 = arith.constant 1 : i32
    scf.for %scan3A_20 = %scan3A to %scan3A_2 step %scan3A_3  : i32 {
      %mul3A_21 = arith.constant 16 : i32
      %mul3A_22 = arith.muli %scan3A_20, %mul3A_21 : i32
      %add3A_23 = arith.constant 0 : i32
      %add3A_24 = arith.addi %add3A_23, %mul3A_22 : i32
      %broadcast_in_dim3A_25 = arith.constant 0.000000e+00 : f32
      %broadcast_in_dim3A_26 = vector.broadcast %broadcast_in_dim3A_25 : f32 to vector<16xf32>
      %swap3A = arith.index_cast %add3A_24 : i32 to index
      %swap3A_27 = tpu.vector_load %arg5[%swap3A] {strides = array<i32>} : memref<10240xf32, #tpu.memory_space<vmem>>, vector<16xf32>,
      tpu.vector_store %arg5[%swap3A], %broadcast_in_dim3A_26 {strides = array<i32>} : memref<10240xf32, #tpu.memory_space<vmem>>, vector<16xf32>,
    }
    %scan3A_4 = arith.constant 640 : i32
    %broadcast_in_dim3A = arith.constant 1.000000e+00 : f32
    %broadcast_in_dim3A_5 = vector.broadcast %broadcast_in_dim3A : f32 to vector<16xf32>
    %scan3A_6 = arith.constant 0 : i32
    %scan3A_7 = arith.constant 625 : i32
    %scan3A_8 = arith.addi %scan3A_6, %scan3A_7 : i32
    %scan3A_9 = arith.constant 1 : i32
    scf.for %scan3A_20 = %scan3A_6 to %scan3A_8 step %scan3A_9  : i32 {
      %mul3A_21 = arith.constant 16 : i32
      %mul3A_22 = arith.muli %scan3A_20, %mul3A_21 : i32
      %add3A_23 = arith.constant 0 : i32
      %add3A_24 = arith.addi %add3A_23, %mul3A_22 : i32
      %get3A = arith.index_cast %add3A_24 : i32 to index
      %get3A_25 = tpu.vector_load %arg4[%get3A] {strides = array<i32>} : memref<10000xi32, #tpu.memory_space<vmem>>, vector<16xi32>,
      tpu.vector_store_idx %arg5[%get3A_25], %broadcast_in_dim3A_5 {add = true} : memref<10240xf32, #tpu.memory_space<vmem>>[vector<16xi32>], vector<16xf32>,
    }
    %scan3A_10 = arith.constant 625 : i32
    "tpu.region"() ({
      %run_scoped3A_20 = tpu.sem_alloc : memref<!tpu.dma_semaphore, #tpu.memory_space<semaphore_mem>>
      %dma_start3A = arith.constant 0 : i32
      %dma_start3A_21 = tpu.memref_slice %arg8[%arg1, %dma_start3A] : memref<16x10240xf32, #tpu.memory_space<vmem_shared>> -> memref<1x10240xf32, #tpu.memory_space<vmem_shared>>
      %dma_start3A_22 = tpu.memref_squeeze %dma_start3A_21 : memref<1x10240xf32, #tpu.memory_space<vmem_shared>> -> memref<10240xf32, #tpu.memory_space<vmem_shared>>
      %dma_start3A_23 = arith.constant 0 : i32
      %dma_start3A_24 = tpu.memref_slice %arg8[%arg1, %dma_start3A_23] : memref<16x10240xf32, #tpu.memory_space<vmem_shared>> -> memref<1x10240xf32, #tpu.memory_space<vmem_shared>>
      %dma_start3A_25 = tpu.memref_squeeze %dma_start3A_24 : memref<1x10240xf32, #tpu.memory_space<vmem_shared>> -> memref<10240xf32, #tpu.memory_space<vmem_shared>>
      tpu.enqueue_dma source(%arg5 : memref<10240xf32, #tpu.memory_space<vmem>>) target(%dma_start3A_25 : memref<10240xf32, #tpu.memory_space<vmem_shared>>) target_semaphore(%run_scoped3A_20 : memref<!tpu.dma_semaphore, #tpu.memory_space<semaphore_mem>>)
      %dma_wait3A = arith.constant 0 : i32
      %dma_wait3A_26 = tpu.memref_slice %arg8[%arg1, %dma_wait3A] : memref<16x10240xf32, #tpu.memory_space<vmem_shared>> -> memref<1x10240xf32, #tpu.memory_space<vmem_shared>>
      %dma_wait3A_27 = tpu.memref_squeeze %dma_wait3A_26 : memref<1x10240xf32, #tpu.memory_space<vmem_shared>> -> memref<10240xf32, #tpu.memory_space<vmem_shared>>
      %dma_wait3A_28 = arith.constant 0 : i32
      %dma_wait3A_29 = tpu.memref_slice %arg8[%arg1, %dma_wait3A_28] : memref<16x10240xf32, #tpu.memory_space<vmem_shared>> -> memref<1x10240xf32, #tpu.memory_space<vmem_shared>>
      %dma_wait3A_30 = tpu.memref_squeeze %dma_wait3A_29 : memref<1x10240xf32, #tpu.memory_space<vmem_shared>> -> memref<10240xf32, #tpu.memory_space<vmem_shared>>
      tpu.wait_dma2 semaphore(%run_scoped3A_20 : memref<!tpu.dma_semaphore, #tpu.memory_space<semaphore_mem>>) src(%arg5 : memref<10240xf32, #tpu.memory_space<vmem>>) dst(%dma_wait3A_30 : memref<10240xf32, #tpu.memory_space<vmem_shared>>)
      tpu.yield
    }) : () -> ()
    %barrier3A = arith.constant 0 : index
    tpu.barrier barrier_id(%barrier3A)
    %mul3A_11 = arith.constant 640 : i32
    %mul3A_12 = arith.muli %arg1, %mul3A_11 : i32
    "tpu.region"() ({
      %run_scoped3A_20 = tpu.sem_alloc : memref<!tpu.dma_semaphore, #tpu.memory_space<semaphore_mem>>
      %dma_start3A = arith.constant 0 : i32
      %dma_start3A_21 = tpu.memref_slice %arg8[%dma_start3A, %mul3A_12] : memref<16x10240xf32, #tpu.memory_space<vmem_shared>> -> memref<16x640xf32, #tpu.memory_space<vmem_shared>>
      %dma_start3A_22 = arith.constant 0 : i32
      %dma_start3A_23 = tpu.memref_slice %arg8[%dma_start3A_22, %mul3A_12] : memref<16x10240xf32, #tpu.memory_space<vmem_shared>> -> memref<16x640xf32, #tpu.memory_space<vmem_shared>>
      tpu.enqueue_dma source(%dma_start3A_23 : memref<16x640xf32, #tpu.memory_space<vmem_shared>>) target(%arg6 : memref<16x640xf32, #tpu.memory_space<vmem>>) target_semaphore(%run_scoped3A_20 : memref<!tpu.dma_semaphore, #tpu.memory_space<semaphore_mem>>)
      %dma_wait3A = arith.constant 0 : i32
      %dma_wait3A_24 = tpu.memref_slice %arg8[%dma_wait3A, %mul3A_12] : memref<16x10240xf32, #tpu.memory_space<vmem_shared>> -> memref<16x640xf32, #tpu.memory_space<vmem_shared>>
      %dma_wait3A_25 = arith.constant 0 : i32
      %dma_wait3A_26 = tpu.memref_slice %arg8[%dma_wait3A_25, %mul3A_12] : memref<16x10240xf32, #tpu.memory_space<vmem_shared>> -> memref<16x640xf32, #tpu.memory_space<vmem_shared>>
      tpu.wait_dma2 semaphore(%run_scoped3A_20 : memref<!tpu.dma_semaphore, #tpu.memory_space<semaphore_mem>>) src(%dma_wait3A_26 : memref<16x640xf32, #tpu.memory_space<vmem_shared>>) dst(%arg6 : memref<16x640xf32, #tpu.memory_space<vmem>>)
      tpu.yield
    }) : () -> ()
    %scan3A_13 = arith.constant 0 : i32
    %scan3A_14 = arith.constant 40 : i32
    %scan3A_15 = arith.addi %scan3A_13, %scan3A_14 : i32
    %scan3A_16 = arith.constant 1 : i32
    scf.for %scan3A_20 = %scan3A_13 to %scan3A_15 step %scan3A_16  : i32 {
      %mul3A_21 = arith.constant 16 : i32
      %mul3A_22 = arith.muli %scan3A_20, %mul3A_21 : i32
      %add3A_23 = arith.constant 0 : i32
      %add3A_24 = arith.addi %add3A_23, %mul3A_22 : i32
      %get3A = arith.constant 0 : i32
      %get3A_25 = arith.index_cast %get3A : i32 to index
      %get3A_26 = arith.index_cast %add3A_24 : i32 to index
      %get3A_27 = tpu.vector_load %arg6[%get3A_25, %get3A_26] {strides = array<i32>} : memref<16x640xf32, #tpu.memory_space<vmem>>, vector<16xf32>,
      %get3A_28 = arith.constant 1 : i32
      %get3A_29 = arith.index_cast %get3A_28 : i32 to index
      %get3A_30 = arith.index_cast %add3A_24 : i32 to index
      %get3A_31 = tpu.vector_load %arg6[%get3A_29, %get3A_30] {strides = array<i32>} : memref<16x640xf32, #tpu.memory_space<vmem>>, vector<16xf32>,
      %add3A_32 = arith.addf %get3A_27, %get3A_31 : vector<16xf32>
      %get3A_33 = arith.constant 2 : i32
      %get3A_34 = arith.index_cast %get3A_33 : i32 to index
      %get3A_35 = arith.index_cast %add3A_24 : i32 to index
      %get3A_36 = tpu.vector_load %arg6[%get3A_34, %get3A_35] {strides = array<i32>} : memref<16x640xf32, #tpu.memory_space<vmem>>, vector<16xf32>,
      %add3A_37 = arith.addf %add3A_32, %get3A_36 : vector<16xf32>
      %get3A_38 = arith.constant 3 : i32
      %get3A_39 = arith.index_cast %get3A_38 : i32 to index
      %get3A_40 = arith.index_cast %add3A_24 : i32 to index
      %get3A_41 = tpu.vector_load %arg6[%get3A_39, %get3A_40] {strides = array<i32>} : memref<16x640xf32, #tpu.memory_space<vmem>>, vector<16xf32>,
      %add3A_42 = arith.addf %add3A_37, %get3A_41 : vector<16xf32>
      %get3A_43 = arith.constant 4 : i32
      %get3A_44 = arith.index_cast %get3A_43 : i32 to index
      %get3A_45 = arith.index_cast %add3A_24 : i32 to index
      %get3A_46 = tpu.vector_load %arg6[%get3A_44, %get3A_45] {strides = array<i32>} : memref<16x640xf32, #tpu.memory_space<vmem>>, vector<16xf32>,
      %add3A_47 = arith.addf %add3A_42, %get3A_46 : vector<16xf32>
      %get3A_48 = arith.constant 5 : i32
      %get3A_49 = arith.index_cast %get3A_48 : i32 to index
      %get3A_50 = arith.index_cast %add3A_24 : i32 to index
      %get3A_51 = tpu.vector_load %arg6[%get3A_49, %get3A_50] {strides = array<i32>} : memref<16x640xf32, #tpu.memory_space<vmem>>, vector<16xf32>,
      %add3A_52 = arith.addf %add3A_47, %get3A_51 : vector<16xf32>
      %get3A_53 = arith.constant 6 : i32
      %get3A_54 = arith.index_cast %get3A_53 : i32 to index
      %get3A_55 = arith.index_cast %add3A_24 : i32 to index
      %get3A_56 = tpu.vector_load %arg6[%get3A_54, %get3A_55] {strides = array<i32>} : memref<16x640xf32, #tpu.memory_space<vmem>>, vector<16xf32>,
      %add3A_57 = arith.addf %add3A_52, %get3A_56 : vector<16xf32>
      %get3A_58 = arith.constant 7 : i32
      %get3A_59 = arith.index_cast %get3A_58 : i32 to index
      %get3A_60 = arith.index_cast %add3A_24 : i32 to index
      %get3A_61 = tpu.vector_load %arg6[%get3A_59, %get3A_60] {strides = array<i32>} : memref<16x640xf32, #tpu.memory_space<vmem>>, vector<16xf32>,
      %add3A_62 = arith.addf %add3A_57, %get3A_61 : vector<16xf32>
      %get3A_63 = arith.constant 8 : i32
      %get3A_64 = arith.index_cast %get3A_63 : i32 to index
      %get3A_65 = arith.index_cast %add3A_24 : i32 to index
      %get3A_66 = tpu.vector_load %arg6[%get3A_64, %get3A_65] {strides = array<i32>} : memref<16x640xf32, #tpu.memory_space<vmem>>, vector<16xf32>,
      %add3A_67 = arith.addf %add3A_62, %get3A_66 : vector<16xf32>
      %get3A_68 = arith.constant 9 : i32
      %get3A_69 = arith.index_cast %get3A_68 : i32 to index
      %get3A_70 = arith.index_cast %add3A_24 : i32 to index
      %get3A_71 = tpu.vector_load %arg6[%get3A_69, %get3A_70] {strides = array<i32>} : memref<16x640xf32, #tpu.memory_space<vmem>>, vector<16xf32>,
      %add3A_72 = arith.addf %add3A_67, %get3A_71 : vector<16xf32>
      %get3A_73 = arith.constant 10 : i32
      %get3A_74 = arith.index_cast %get3A_73 : i32 to index
      %get3A_75 = arith.index_cast %add3A_24 : i32 to index
      %get3A_76 = tpu.vector_load %arg6[%get3A_74, %get3A_75] {strides = array<i32>} : memref<16x640xf32, #tpu.memory_space<vmem>>, vector<16xf32>,
      %add3A_77 = arith.addf %add3A_72, %get3A_76 : vector<16xf32>
      %get3A_78 = arith.constant 11 : i32
      %get3A_79 = arith.index_cast %get3A_78 : i32 to index
      %get3A_80 = arith.index_cast %add3A_24 : i32 to index
      %get3A_81 = tpu.vector_load %arg6[%get3A_79, %get3A_80] {strides = array<i32>} : memref<16x640xf32, #tpu.memory_space<vmem>>, vector<16xf32>,
      %add3A_82 = arith.addf %add3A_77, %get3A_81 : vector<16xf32>
      %get3A_83 = arith.constant 12 : i32
      %get3A_84 = arith.index_cast %get3A_83 : i32 to index
      %get3A_85 = arith.index_cast %add3A_24 : i32 to index
      %get3A_86 = tpu.vector_load %arg6[%get3A_84, %get3A_85] {strides = array<i32>} : memref<16x640xf32, #tpu.memory_space<vmem>>, vector<16xf32>,
      %add3A_87 = arith.addf %add3A_82, %get3A_86 : vector<16xf32>
      %get3A_88 = arith.constant 13 : i32
      %get3A_89 = arith.index_cast %get3A_88 : i32 to index
      %get3A_90 = arith.index_cast %add3A_24 : i32 to index
      %get3A_91 = tpu.vector_load %arg6[%get3A_89, %get3A_90] {strides = array<i32>} : memref<16x640xf32, #tpu.memory_space<vmem>>, vector<16xf32>,
      %add3A_92 = arith.addf %add3A_87, %get3A_91 : vector<16xf32>
      %get3A_93 = arith.constant 14 : i32
      %get3A_94 = arith.index_cast %get3A_93 : i32 to index
      %get3A_95 = arith.index_cast %add3A_24 : i32 to index
      %get3A_96 = tpu.vector_load %arg6[%get3A_94, %get3A_95] {strides = array<i32>} : memref<16x640xf32, #tpu.memory_space<vmem>>, vector<16xf32>,
      %add3A_97 = arith.addf %add3A_92, %get3A_96 : vector<16xf32>
      %get3A_98 = arith.constant 15 : i32
      %get3A_99 = arith.index_cast %get3A_98 : i32 to index
      %get3A_100 = arith.index_cast %add3A_24 : i32 to index
      %get3A_101 = tpu.vector_load %arg6[%get3A_99, %get3A_100] {strides = array<i32>} : memref<16x640xf32, #tpu.memory_space<vmem>>, vector<16xf32>,
      %add3A_102 = arith.addf %add3A_97, %get3A_101 : vector<16xf32>
      %swap3A = arith.index_cast %add3A_24 : i32 to index
      %swap3A_103 = tpu.vector_load %arg7[%swap3A] {strides = array<i32>} : memref<640xf32, #tpu.memory_space<vmem>>, vector<16xf32>,
      tpu.vector_store %arg7[%swap3A], %add3A_102 {strides = array<i32>} : memref<640xf32, #tpu.memory_space<vmem>>, vector<16xf32>,
    }
    %scan3A_17 = arith.constant 40 : i32
    %mul3A_18 = arith.constant 640 : i32
    %mul3A_19 = arith.muli %arg1, %mul3A_18 : i32
    "tpu.region"() ({
      %run_scoped3A_20 = tpu.sem_alloc : memref<!tpu.dma_semaphore, #tpu.memory_space<semaphore_mem>>
      %dma_start3A = tpu.memref_slice %arg3[%arg0, %mul3A_19] : memref<2x10240xf32, #tpu.memory_space<hbm>> -> memref<1x640xf32, #tpu.memory_space<hbm>>
      %dma_start3A_21 = tpu.memref_squeeze %dma_start3A : memref<1x640xf32, #tpu.memory_space<hbm>> -> memref<640xf32, #tpu.memory_space<hbm>>
      %dma_start3A_22 = tpu.memref_slice %arg3[%arg0, %mul3A_19] : memref<2x10240xf32, #tpu.memory_space<hbm>> -> memref<1x640xf32, #tpu.memory_space<hbm>>
      %dma_start3A_23 = tpu.memref_squeeze %dma_start3A_22 : memref<1x640xf32, #tpu.memory_space<hbm>> -> memref<640xf32, #tpu.memory_space<hbm>>
      tpu.enqueue_dma source(%arg7 : memref<640xf32, #tpu.memory_space<vmem>>) target(%dma_start3A_23 : memref<640xf32, #tpu.memory_space<hbm>>) target_semaphore(%run_scoped3A_20 : memref<!tpu.dma_semaphore, #tpu.memory_space<semaphore_mem>>)
      %dma_wait3A = tpu.memref_slice %arg3[%arg0, %mul3A_19] : memref<2x10240xf32, #tpu.memory_space<hbm>> -> memref<1x640xf32, #tpu.memory_space<hbm>>
      %dma_wait3A_24 = tpu.memref_squeeze %dma_wait3A : memref<1x640xf32, #tpu.memory_space<hbm>> -> memref<640xf32, #tpu.memory_space<hbm>>
      %dma_wait3A_25 = tpu.memref_slice %arg3[%arg0, %mul3A_19] : memref<2x10240xf32, #tpu.memory_space<hbm>> -> memref<1x640xf32, #tpu.memory_space<hbm>>
      %dma_wait3A_26 = tpu.memref_squeeze %dma_wait3A_25 : memref<1x640xf32, #tpu.memory_space<hbm>> -> memref<640xf32, #tpu.memory_space<hbm>>
      tpu.wait_dma2 semaphore(%run_scoped3A_20 : memref<!tpu.dma_semaphore, #tpu.memory_space<semaphore_mem>>) src(%arg7 : memref<640xf32, #tpu.memory_space<vmem>>) dst(%dma_wait3A_26 : memref<640xf32, #tpu.memory_space<hbm>>)
      tpu.yield
    }) : () -> ()
    return
  }
}

#map = affine_map<(d0, d1) -> (0, 0, 0, 0, 0)>
#map1 = affine_map<(d0, d1) -> (0, 0)>
#map2 = affine_map<(d0, d1) -> (0, 0, 0)>
module attributes {stable_mosaic.version = 14 : i64} {
  func.func @_k_msg(%arg0: i32, %arg1: i32, %arg2: memref<2x32x2x40x125xi32, #tpu.memory_space<hbm>>, %arg3: memref<10240x128xf32, #tpu.memory_space<hbm>>, %arg4: memref<2x10240x128xf32, #tpu.memory_space<hbm>>, %arg5: memref<40x125xi32, #tpu.memory_space<vmem>>, %arg6: memref<40x125xi32, #tpu.memory_space<vmem>>, %arg7: memref<125x128xf32, #tpu.memory_space<vmem>>, %arg8: memref<125x128xf32, #tpu.memory_space<vmem>>, %arg9: memref<10240x128xf32, #tpu.memory_space<vmem_shared>>, %arg10: memref<!tpu.dma_semaphore, #tpu.memory_space<semaphore_mem>>, %arg11: memref<!tpu.dma_semaphore, #tpu.memory_space<semaphore_mem>>) attributes {dimension_semantics = [#tpu.dimension_semantics<core_parallel>, #tpu.dimension_semantics<subcore_parallel>], iteration_bounds = array<i64: 2, 16>, scalar_prefetch = 0 : i64, scratch_operands = 7 : i64, tpu.core_type = #tpu.core_type<sc_vector_subcore>, window_params = [{transform_indices = #map}, {transform_indices = #map1}, {transform_indices = #map2}]} {
    %mul3A = arith.constant 16 : i32
    %mul3A_0 = arith.muli %arg0, %mul3A : i32
    %add3A = arith.addi %mul3A_0, %arg1 : i32
    %scan3A = arith.constant 0 : i32
    %scan3A_1 = arith.constant 64 : i32
    %scan3A_2 = arith.addi %scan3A, %scan3A_1 : i32
    %scan3A_3 = arith.constant 1 : i32
    scf.for %scan3A_45 = %scan3A to %scan3A_2 step %scan3A_3  : i32 {
      %mul3A_46 = arith.constant 1 : i32
      %mul3A_47 = arith.muli %scan3A_45, %mul3A_46 : i32
      %add3A_48 = arith.constant 0 : i32
      %add3A_49 = arith.addi %add3A_48, %mul3A_47 : i32
      %scan3A_50 = arith.constant 0 : i32
      %scan3A_51 = arith.constant 8 : i32
      %scan3A_52 = arith.addi %scan3A_50, %scan3A_51 : i32
      %scan3A_53 = arith.constant 1 : i32
      scf.for %scan3A_55 = %scan3A_50 to %scan3A_52 step %scan3A_53  : i32 {
        %mul3A_56 = arith.constant 16 : i32
        %mul3A_57 = arith.muli %scan3A_55, %mul3A_56 : i32
        %add3A_58 = arith.constant 0 : i32
        %add3A_59 = arith.addi %add3A_58, %mul3A_57 : i32
        %broadcast_in_dim3A = arith.constant 0.000000e+00 : f32
        %broadcast_in_dim3A_60 = vector.broadcast %broadcast_in_dim3A : f32 to vector<16xf32>
        %swap3A = arith.index_cast %add3A_49 : i32 to index
        %swap3A_61 = arith.index_cast %add3A_59 : i32 to index
        %swap3A_62 = tpu.vector_load %arg7[%swap3A, %swap3A_61] {strides = array<i32>} : memref<125x128xf32, #tpu.memory_space<vmem>>, vector<16xf32>,
        tpu.vector_store %arg7[%swap3A, %swap3A_61], %broadcast_in_dim3A_60 {strides = array<i32>} : memref<125x128xf32, #tpu.memory_space<vmem>>, vector<16xf32>,
      }
      %scan3A_54 = arith.constant 8 : i32
    }
    %scan3A_4 = arith.constant 64 : i32
    %scan3A_5 = arith.constant 0 : i32
    %scan3A_6 = arith.constant 10 : i32
    %scan3A_7 = arith.addi %scan3A_5, %scan3A_6 : i32
    %scan3A_8 = arith.constant 1 : i32
    scf.for %scan3A_45 = %scan3A_5 to %scan3A_7 step %scan3A_8  : i32 {
      %mul3A_46 = arith.constant 64 : i32
      %mul3A_47 = arith.muli %scan3A_45, %mul3A_46 : i32
      %add3A_48 = arith.constant 0 : i32
      %add3A_49 = arith.addi %add3A_48, %mul3A_47 : i32
      %mul3A_50 = arith.constant 640 : i32
      %mul3A_51 = arith.muli %arg1, %mul3A_50 : i32
      %add3A_52 = arith.addi %mul3A_51, %add3A_49 : i32
      "tpu.region"() ({
        %run_scoped3A_53 = tpu.sem_alloc : memref<!tpu.dma_semaphore, #tpu.memory_space<semaphore_mem>>
        %dma_start3A_54 = arith.constant 0 : i32
        %dma_start3A_55 = arith.constant 0 : i32
        %dma_start3A_56 = tpu.memref_slice %arg7[%dma_start3A_54, %dma_start3A_55] : memref<125x128xf32, #tpu.memory_space<vmem>> -> memref<64x128xf32, #tpu.memory_space<vmem>>
        %dma_start3A_57 = arith.constant 0 : i32
        %dma_start3A_58 = tpu.memref_slice %arg9[%add3A_52, %dma_start3A_57] : memref<10240x128xf32, #tpu.memory_space<vmem_shared>> -> memref<64x128xf32, #tpu.memory_space<vmem_shared>>
        %dma_start3A_59 = arith.constant 0 : i32
        %dma_start3A_60 = tpu.memref_slice %arg9[%add3A_52, %dma_start3A_59] : memref<10240x128xf32, #tpu.memory_space<vmem_shared>> -> memref<64x128xf32, #tpu.memory_space<vmem_shared>>
        %dma_start3A_61 = arith.constant 0 : i32
        %dma_start3A_62 = arith.constant 0 : i32
        %dma_start3A_63 = tpu.memref_slice %arg7[%dma_start3A_61, %dma_start3A_62] : memref<125x128xf32, #tpu.memory_space<vmem>> -> memref<64x128xf32, #tpu.memory_space<vmem>>
        tpu.enqueue_dma source(%dma_start3A_63 : memref<64x128xf32, #tpu.memory_space<vmem>>) target(%dma_start3A_60 : memref<64x128xf32, #tpu.memory_space<vmem_shared>>) target_semaphore(%run_scoped3A_53 : memref<!tpu.dma_semaphore, #tpu.memory_space<semaphore_mem>>)
        %dma_wait3A = arith.constant 0 : i32
        %dma_wait3A_64 = arith.constant 0 : i32
        %dma_wait3A_65 = tpu.memref_slice %arg7[%dma_wait3A, %dma_wait3A_64] : memref<125x128xf32, #tpu.memory_space<vmem>> -> memref<64x128xf32, #tpu.memory_space<vmem>>
        %dma_wait3A_66 = arith.constant 0 : i32
        %dma_wait3A_67 = tpu.memref_slice %arg9[%add3A_52, %dma_wait3A_66] : memref<10240x128xf32, #tpu.memory_space<vmem_shared>> -> memref<64x128xf32, #tpu.memory_space<vmem_shared>>
        %dma_wait3A_68 = arith.constant 0 : i32
        %dma_wait3A_69 = tpu.memref_slice %arg9[%add3A_52, %dma_wait3A_68] : memref<10240x128xf32, #tpu.memory_space<vmem_shared>> -> memref<64x128xf32, #tpu.memory_space<vmem_shared>>
        %dma_wait3A_70 = arith.constant 0 : i32
        %dma_wait3A_71 = arith.constant 0 : i32
        %dma_wait3A_72 = tpu.memref_slice %arg7[%dma_wait3A_70, %dma_wait3A_71] : memref<125x128xf32, #tpu.memory_space<vmem>> -> memref<64x128xf32, #tpu.memory_space<vmem>>
        tpu.wait_dma2 semaphore(%run_scoped3A_53 : memref<!tpu.dma_semaphore, #tpu.memory_space<semaphore_mem>>) src(%dma_wait3A_72 : memref<64x128xf32, #tpu.memory_space<vmem>>) dst(%dma_wait3A_69 : memref<64x128xf32, #tpu.memory_space<vmem_shared>>)
        tpu.yield
      }) : () -> ()
    }
    %scan3A_9 = arith.constant 10 : i32
    %barrier3A = arith.constant 0 : index
    tpu.barrier barrier_id(%barrier3A)
    %run_scoped3A = arith.constant 0 : i32
    %run_scoped3A_10 = arith.constant 0 : i32
    "tpu.region"() ({
      %run_scoped3A_45 = tpu.sem_alloc : memref<!tpu.dma_semaphore, #tpu.memory_space<semaphore_mem>>
      %dma_start3A_46 = arith.constant 0 : i32
      %dma_start3A_47 = arith.constant 0 : i32
      %dma_start3A_48 = tpu.memref_slice %arg2[%run_scoped3A, %add3A, %run_scoped3A_10, %dma_start3A_46, %dma_start3A_47] : memref<2x32x2x40x125xi32, #tpu.memory_space<hbm>> -> memref<1x1x1x40x125xi32, #tpu.memory_space<hbm>>
      %dma_start3A_49 = tpu.memref_squeeze %dma_start3A_48 : memref<1x1x1x40x125xi32, #tpu.memory_space<hbm>> -> memref<40x125xi32, #tpu.memory_space<hbm>>
      %dma_start3A_50 = arith.constant 0 : i32
      %dma_start3A_51 = arith.constant 0 : i32
      %dma_start3A_52 = tpu.memref_slice %arg2[%run_scoped3A, %add3A, %run_scoped3A_10, %dma_start3A_50, %dma_start3A_51] : memref<2x32x2x40x125xi32, #tpu.memory_space<hbm>> -> memref<1x1x1x40x125xi32, #tpu.memory_space<hbm>>
      %dma_start3A_53 = tpu.memref_squeeze %dma_start3A_52 : memref<1x1x1x40x125xi32, #tpu.memory_space<hbm>> -> memref<40x125xi32, #tpu.memory_space<hbm>>
      tpu.enqueue_dma source(%dma_start3A_53 : memref<40x125xi32, #tpu.memory_space<hbm>>) target(%arg5 : memref<40x125xi32, #tpu.memory_space<vmem>>) target_semaphore(%run_scoped3A_45 : memref<!tpu.dma_semaphore, #tpu.memory_space<semaphore_mem>>)
      %dma_wait3A = arith.constant 0 : i32
      %dma_wait3A_54 = arith.constant 0 : i32
      %dma_wait3A_55 = tpu.memref_slice %arg2[%run_scoped3A, %add3A, %run_scoped3A_10, %dma_wait3A, %dma_wait3A_54] : memref<2x32x2x40x125xi32, #tpu.memory_space<hbm>> -> memref<1x1x1x40x125xi32, #tpu.memory_space<hbm>>
      %dma_wait3A_56 = tpu.memref_squeeze %dma_wait3A_55 : memref<1x1x1x40x125xi32, #tpu.memory_space<hbm>> -> memref<40x125xi32, #tpu.memory_space<hbm>>
      %dma_wait3A_57 = arith.constant 0 : i32
      %dma_wait3A_58 = arith.constant 0 : i32
      %dma_wait3A_59 = tpu.memref_slice %arg2[%run_scoped3A, %add3A, %run_scoped3A_10, %dma_wait3A_57, %dma_wait3A_58] : memref<2x32x2x40x125xi32, #tpu.memory_space<hbm>> -> memref<1x1x1x40x125xi32, #tpu.memory_space<hbm>>
      %dma_wait3A_60 = tpu.memref_squeeze %dma_wait3A_59 : memref<1x1x1x40x125xi32, #tpu.memory_space<hbm>> -> memref<40x125xi32, #tpu.memory_space<hbm>>
      tpu.wait_dma2 semaphore(%run_scoped3A_45 : memref<!tpu.dma_semaphore, #tpu.memory_space<semaphore_mem>>) src(%dma_wait3A_60 : memref<40x125xi32, #tpu.memory_space<hbm>>) dst(%arg5 : memref<40x125xi32, #tpu.memory_space<vmem>>)
      tpu.yield
    }) : () -> ()
    %run_scoped3A_11 = arith.constant 1 : i32
    %run_scoped3A_12 = arith.constant 0 : i32
    "tpu.region"() ({
      %run_scoped3A_45 = tpu.sem_alloc : memref<!tpu.dma_semaphore, #tpu.memory_space<semaphore_mem>>
      %dma_start3A_46 = arith.constant 0 : i32
      %dma_start3A_47 = arith.constant 0 : i32
      %dma_start3A_48 = tpu.memref_slice %arg2[%run_scoped3A_11, %add3A, %run_scoped3A_12, %dma_start3A_46, %dma_start3A_47] : memref<2x32x2x40x125xi32, #tpu.memory_space<hbm>> -> memref<1x1x1x40x125xi32, #tpu.memory_space<hbm>>
      %dma_start3A_49 = tpu.memref_squeeze %dma_start3A_48 : memref<1x1x1x40x125xi32, #tpu.memory_space<hbm>> -> memref<40x125xi32, #tpu.memory_space<hbm>>
      %dma_start3A_50 = arith.constant 0 : i32
      %dma_start3A_51 = arith.constant 0 : i32
      %dma_start3A_52 = tpu.memref_slice %arg2[%run_scoped3A_11, %add3A, %run_scoped3A_12, %dma_start3A_50, %dma_start3A_51] : memref<2x32x2x40x125xi32, #tpu.memory_space<hbm>> -> memref<1x1x1x40x125xi32, #tpu.memory_space<hbm>>
      %dma_start3A_53 = tpu.memref_squeeze %dma_start3A_52 : memref<1x1x1x40x125xi32, #tpu.memory_space<hbm>> -> memref<40x125xi32, #tpu.memory_space<hbm>>
      tpu.enqueue_dma source(%dma_start3A_53 : memref<40x125xi32, #tpu.memory_space<hbm>>) target(%arg6 : memref<40x125xi32, #tpu.memory_space<vmem>>) target_semaphore(%run_scoped3A_45 : memref<!tpu.dma_semaphore, #tpu.memory_space<semaphore_mem>>)
      %dma_wait3A = arith.constant 0 : i32
      %dma_wait3A_54 = arith.constant 0 : i32
      %dma_wait3A_55 = tpu.memref_slice %arg2[%run_scoped3A_11, %add3A, %run_scoped3A_12, %dma_wait3A, %dma_wait3A_54] : memref<2x32x2x40x125xi32, #tpu.memory_space<hbm>> -> memref<1x1x1x40x125xi32, #tpu.memory_space<hbm>>
      %dma_wait3A_56 = tpu.memref_squeeze %dma_wait3A_55 : memref<1x1x1x40x125xi32, #tpu.memory_space<hbm>> -> memref<40x125xi32, #tpu.memory_space<hbm>>
      %dma_wait3A_57 = arith.constant 0 : i32
      %dma_wait3A_58 = arith.constant 0 : i32
      %dma_wait3A_59 = tpu.memref_slice %arg2[%run_scoped3A_11, %add3A, %run_scoped3A_12, %dma_wait3A_57, %dma_wait3A_58] : memref<2x32x2x40x125xi32, #tpu.memory_space<hbm>> -> memref<1x1x1x40x125xi32, #tpu.memory_space<hbm>>
      %dma_wait3A_60 = tpu.memref_squeeze %dma_wait3A_59 : memref<1x1x1x40x125xi32, #tpu.memory_space<hbm>> -> memref<40x125xi32, #tpu.memory_space<hbm>>
      tpu.wait_dma2 semaphore(%run_scoped3A_45 : memref<!tpu.dma_semaphore, #tpu.memory_space<semaphore_mem>>) src(%dma_wait3A_60 : memref<40x125xi32, #tpu.memory_space<hbm>>) dst(%arg6 : memref<40x125xi32, #tpu.memory_space<vmem>>)
      tpu.yield
    }) : () -> ()
    %dma_start3A = arith.constant 0 : i32
    %dma_start3A_13 = arith.constant 0 : i32
    %dma_start3A_14 = tpu.memref_slice %arg5[%dma_start3A, %dma_start3A_13] : memref<40x125xi32, #tpu.memory_space<vmem>> -> memref<1x125xi32, #tpu.memory_space<vmem>>
    %dma_start3A_15 = tpu.memref_squeeze %dma_start3A_14 : memref<1x125xi32, #tpu.memory_space<vmem>> -> memref<125xi32, #tpu.memory_space<vmem>>
    %dma_start3A_16 = arith.constant 0 : i32
    %dma_start3A_17 = arith.constant 0 : i32
    %dma_start3A_18 = tpu.memref_slice %arg3[%dma_start3A_16, %dma_start3A_17] : memref<10240x128xf32, #tpu.memory_space<hbm>> -> memref<10240x128xf32, #tpu.memory_space<hbm>>
    tpu.enqueue_indirect_dma source(%dma_start3A_18 : memref<10240x128xf32, #tpu.memory_space<hbm>>) target(%arg7 : memref<125x128xf32, #tpu.memory_space<vmem>>) offsets(%dma_start3A_15 : memref<125xi32, #tpu.memory_space<vmem>>) semaphore(%arg10 : memref<!tpu.dma_semaphore, #tpu.memory_space<semaphore_mem>>)
    %scan3A_19 = arith.constant 0 : i32
    %scan3A_20 = arith.constant 20 : i32
    %scan3A_21 = arith.addi %scan3A_19, %scan3A_20 : i32
    %scan3A_22 = arith.constant 1 : i32
    scf.for %scan3A_45 = %scan3A_19 to %scan3A_21 step %scan3A_22  : i32 {
      %mul3A_46 = arith.constant 2 : i32
      %mul3A_47 = arith.muli %scan3A_45, %mul3A_46 : i32
      %add3A_48 = arith.constant 0 : i32
      %add3A_49 = arith.addi %add3A_48, %mul3A_47 : i32
      %dma_wait3A = arith.constant 0 : i32
      %dma_wait3A_50 = tpu.memref_slice %arg5[%add3A_49, %dma_wait3A] : memref<40x125xi32, #tpu.memory_space<vmem>> -> memref<1x125xi32, #tpu.memory_space<vmem>>
      %dma_wait3A_51 = tpu.memref_squeeze %dma_wait3A_50 : memref<1x125xi32, #tpu.memory_space<vmem>> -> memref<125xi32, #tpu.memory_space<vmem>>
      %dma_wait3A_52 = arith.constant 0 : i32
      %dma_wait3A_53 = arith.constant 0 : i32
      %dma_wait3A_54 = tpu.memref_slice %arg3[%dma_wait3A_52, %dma_wait3A_53] : memref<10240x128xf32, #tpu.memory_space<hbm>> -> memref<10240x128xf32, #tpu.memory_space<hbm>>
      tpu.wait_indirect_dma semaphore(%arg10 : memref<!tpu.dma_semaphore, #tpu.memory_space<semaphore_mem>>) src(%dma_wait3A_54 : memref<10240x128xf32, #tpu.memory_space<hbm>>) dst(%arg7 : memref<125x128xf32, #tpu.memory_space<vmem>>)
      %add3A_55 = arith.constant 1 : i32
      %add3A_56 = arith.addi %add3A_49, %add3A_55 : i32
      %dma_start3A_57 = arith.constant 0 : i32
      %dma_start3A_58 = tpu.memref_slice %arg5[%add3A_56, %dma_start3A_57] : memref<40x125xi32, #tpu.memory_space<vmem>> -> memref<1x125xi32, #tpu.memory_space<vmem>>
      %dma_start3A_59 = tpu.memref_squeeze %dma_start3A_58 : memref<1x125xi32, #tpu.memory_space<vmem>> -> memref<125xi32, #tpu.memory_space<vmem>>
      %dma_start3A_60 = arith.constant 0 : i32
      %dma_start3A_61 = arith.constant 0 : i32
      %dma_start3A_62 = tpu.memref_slice %arg3[%dma_start3A_60, %dma_start3A_61] : memref<10240x128xf32, #tpu.memory_space<hbm>> -> memref<10240x128xf32, #tpu.memory_space<hbm>>
      tpu.enqueue_indirect_dma source(%dma_start3A_62 : memref<10240x128xf32, #tpu.memory_space<hbm>>) target(%arg8 : memref<125x128xf32, #tpu.memory_space<vmem>>) offsets(%dma_start3A_59 : memref<125xi32, #tpu.memory_space<vmem>>) semaphore(%arg11 : memref<!tpu.dma_semaphore, #tpu.memory_space<semaphore_mem>>)
      "tpu.region"() ({
        %run_scoped3A_75 = tpu.sem_alloc : memref<!tpu.dma_semaphore, #tpu.memory_space<semaphore_mem>>
        %dma_start3A_76 = arith.constant 0 : i32
        %dma_start3A_77 = tpu.memref_slice %arg6[%add3A_49, %dma_start3A_76] : memref<40x125xi32, #tpu.memory_space<vmem>> -> memref<1x125xi32, #tpu.memory_space<vmem>>
        %dma_start3A_78 = tpu.memref_squeeze %dma_start3A_77 : memref<1x125xi32, #tpu.memory_space<vmem>> -> memref<125xi32, #tpu.memory_space<vmem>>
        %dma_start3A_79 = arith.constant 0 : i32
        %dma_start3A_80 = arith.constant 0 : i32
        %dma_start3A_81 = tpu.memref_slice %arg9[%dma_start3A_79, %dma_start3A_80] : memref<10240x128xf32, #tpu.memory_space<vmem_shared>> -> memref<10240x128xf32, #tpu.memory_space<vmem_shared>>
        tpu.enqueue_indirect_dma source(%arg7 : memref<125x128xf32, #tpu.memory_space<vmem>>) target(%dma_start3A_81 : memref<10240x128xf32, #tpu.memory_space<vmem_shared>>) offsets(%dma_start3A_78 : memref<125xi32, #tpu.memory_space<vmem>>) semaphore(%run_scoped3A_75 : memref<!tpu.dma_semaphore, #tpu.memory_space<semaphore_mem>>) {add = true}
        %dma_wait3A_82 = arith.constant 0 : i32
        %dma_wait3A_83 = tpu.memref_slice %arg6[%add3A_49, %dma_wait3A_82] : memref<40x125xi32, #tpu.memory_space<vmem>> -> memref<1x125xi32, #tpu.memory_space<vmem>>
        %dma_wait3A_84 = tpu.memref_squeeze %dma_wait3A_83 : memref<1x125xi32, #tpu.memory_space<vmem>> -> memref<125xi32, #tpu.memory_space<vmem>>
        %dma_wait3A_85 = arith.constant 0 : i32
        %dma_wait3A_86 = arith.constant 0 : i32
        %dma_wait3A_87 = tpu.memref_slice %arg9[%dma_wait3A_85, %dma_wait3A_86] : memref<10240x128xf32, #tpu.memory_space<vmem_shared>> -> memref<10240x128xf32, #tpu.memory_space<vmem_shared>>
        tpu.wait_indirect_dma semaphore(%run_scoped3A_75 : memref<!tpu.dma_semaphore, #tpu.memory_space<semaphore_mem>>) src(%arg7 : memref<125x128xf32, #tpu.memory_space<vmem>>) dst(%dma_wait3A_87 : memref<10240x128xf32, #tpu.memory_space<vmem_shared>>)
        tpu.yield
      }) : () -> ()
      %dma_wait3A_63 = arith.constant 0 : i32
      %dma_wait3A_64 = tpu.memref_slice %arg5[%add3A_49, %dma_wait3A_63] : memref<40x125xi32, #tpu.memory_space<vmem>> -> memref<1x125xi32, #tpu.memory_space<vmem>>
      %dma_wait3A_65 = tpu.memref_squeeze %dma_wait3A_64 : memref<1x125xi32, #tpu.memory_space<vmem>> -> memref<125xi32, #tpu.memory_space<vmem>>
      %dma_wait3A_66 = arith.constant 0 : i32
      %dma_wait3A_67 = arith.constant 0 : i32
      %dma_wait3A_68 = tpu.memref_slice %arg3[%dma_wait3A_66, %dma_wait3A_67] : memref<10240x128xf32, #tpu.memory_space<hbm>> -> memref<10240x128xf32, #tpu.memory_space<hbm>>
      tpu.wait_indirect_dma semaphore(%arg11 : memref<!tpu.dma_semaphore, #tpu.memory_space<semaphore_mem>>) src(%dma_wait3A_68 : memref<10240x128xf32, #tpu.memory_space<hbm>>) dst(%arg8 : memref<125x128xf32, #tpu.memory_space<vmem>>)
      %add3A_69 = arith.constant 2 : i32
      %add3A_70 = arith.addi %add3A_49, %add3A_69 : i32
      %lt3A = arith.constant 40 : i32
      %lt3A_71 = arith.cmpi slt, %add3A_70, %lt3A : i32
      %convert_element_type3A = arith.extui %lt3A_71 : i1 to i32
      %cond3A = arith.constant 0 : i32
      %cond3A_72 = arith.cmpi ne, %convert_element_type3A, %cond3A : i32
      scf.if %cond3A_72 {
        %add3A_75 = arith.constant 2 : i32
        %add3A_76 = arith.addi %add3A_49, %add3A_75 : i32
        %dma_start3A_77 = arith.constant 0 : i32
        %dma_start3A_78 = tpu.memref_slice %arg5[%add3A_76, %dma_start3A_77] : memref<40x125xi32, #tpu.memory_space<vmem>> -> memref<1x125xi32, #tpu.memory_space<vmem>>
        %dma_start3A_79 = tpu.memref_squeeze %dma_start3A_78 : memref<1x125xi32, #tpu.memory_space<vmem>> -> memref<125xi32, #tpu.memory_space<vmem>>
        %dma_start3A_80 = arith.constant 0 : i32
        %dma_start3A_81 = arith.constant 0 : i32
        %dma_start3A_82 = tpu.memref_slice %arg3[%dma_start3A_80, %dma_start3A_81] : memref<10240x128xf32, #tpu.memory_space<hbm>> -> memref<10240x128xf32, #tpu.memory_space<hbm>>
        tpu.enqueue_indirect_dma source(%dma_start3A_82 : memref<10240x128xf32, #tpu.memory_space<hbm>>) target(%arg7 : memref<125x128xf32, #tpu.memory_space<vmem>>) offsets(%dma_start3A_79 : memref<125xi32, #tpu.memory_space<vmem>>) semaphore(%arg10 : memref<!tpu.dma_semaphore, #tpu.memory_space<semaphore_mem>>)
      } else {
      }
      %add3A_73 = arith.constant 1 : i32
      %add3A_74 = arith.addi %add3A_49, %add3A_73 : i32
      "tpu.region"() ({
        %run_scoped3A_75 = tpu.sem_alloc : memref<!tpu.dma_semaphore, #tpu.memory_space<semaphore_mem>>
        %dma_start3A_76 = arith.constant 0 : i32
        %dma_start3A_77 = tpu.memref_slice %arg6[%add3A_74, %dma_start3A_76] : memref<40x125xi32, #tpu.memory_space<vmem>> -> memref<1x125xi32, #tpu.memory_space<vmem>>
        %dma_start3A_78 = tpu.memref_squeeze %dma_start3A_77 : memref<1x125xi32, #tpu.memory_space<vmem>> -> memref<125xi32, #tpu.memory_space<vmem>>
        %dma_start3A_79 = arith.constant 0 : i32
        %dma_start3A_80 = arith.constant 0 : i32
        %dma_start3A_81 = tpu.memref_slice %arg9[%dma_start3A_79, %dma_start3A_80] : memref<10240x128xf32, #tpu.memory_space<vmem_shared>> -> memref<10240x128xf32, #tpu.memory_space<vmem_shared>>
        tpu.enqueue_indirect_dma source(%arg8 : memref<125x128xf32, #tpu.memory_space<vmem>>) target(%dma_start3A_81 : memref<10240x128xf32, #tpu.memory_space<vmem_shared>>) offsets(%dma_start3A_78 : memref<125xi32, #tpu.memory_space<vmem>>) semaphore(%run_scoped3A_75 : memref<!tpu.dma_semaphore, #tpu.memory_space<semaphore_mem>>) {add = true}
        %dma_wait3A_82 = arith.constant 0 : i32
        %dma_wait3A_83 = tpu.memref_slice %arg6[%add3A_74, %dma_wait3A_82] : memref<40x125xi32, #tpu.memory_space<vmem>> -> memref<1x125xi32, #tpu.memory_space<vmem>>
        %dma_wait3A_84 = tpu.memref_squeeze %dma_wait3A_83 : memref<1x125xi32, #tpu.memory_space<vmem>> -> memref<125xi32, #tpu.memory_space<vmem>>
        %dma_wait3A_85 = arith.constant 0 : i32
        %dma_wait3A_86 = arith.constant 0 : i32
        %dma_wait3A_87 = tpu.memref_slice %arg9[%dma_wait3A_85, %dma_wait3A_86] : memref<10240x128xf32, #tpu.memory_space<vmem_shared>> -> memref<10240x128xf32, #tpu.memory_space<vmem_shared>>
        tpu.wait_indirect_dma semaphore(%run_scoped3A_75 : memref<!tpu.dma_semaphore, #tpu.memory_space<semaphore_mem>>) src(%arg8 : memref<125x128xf32, #tpu.memory_space<vmem>>) dst(%dma_wait3A_87 : memref<10240x128xf32, #tpu.memory_space<vmem_shared>>)
        tpu.yield
      }) : () -> ()
    }
    %scan3A_23 = arith.constant 20 : i32
    %run_scoped3A_24 = arith.constant 0 : i32
    %run_scoped3A_25 = arith.constant 1 : i32
    "tpu.region"() ({
      %run_scoped3A_45 = tpu.sem_alloc : memref<!tpu.dma_semaphore, #tpu.memory_space<semaphore_mem>>
      %dma_start3A_46 = arith.constant 0 : i32
      %dma_start3A_47 = arith.constant 0 : i32
      %dma_start3A_48 = tpu.memref_slice %arg2[%run_scoped3A_24, %add3A, %run_scoped3A_25, %dma_start3A_46, %dma_start3A_47] : memref<2x32x2x40x125xi32, #tpu.memory_space<hbm>> -> memref<1x1x1x40x125xi32, #tpu.memory_space<hbm>>
      %dma_start3A_49 = tpu.memref_squeeze %dma_start3A_48 : memref<1x1x1x40x125xi32, #tpu.memory_space<hbm>> -> memref<40x125xi32, #tpu.memory_space<hbm>>
      %dma_start3A_50 = arith.constant 0 : i32
      %dma_start3A_51 = arith.constant 0 : i32
      %dma_start3A_52 = tpu.memref_slice %arg2[%run_scoped3A_24, %add3A, %run_scoped3A_25, %dma_start3A_50, %dma_start3A_51] : memref<2x32x2x40x125xi32, #tpu.memory_space<hbm>> -> memref<1x1x1x40x125xi32, #tpu.memory_space<hbm>>
      %dma_start3A_53 = tpu.memref_squeeze %dma_start3A_52 : memref<1x1x1x40x125xi32, #tpu.memory_space<hbm>> -> memref<40x125xi32, #tpu.memory_space<hbm>>
      tpu.enqueue_dma source(%dma_start3A_53 : memref<40x125xi32, #tpu.memory_space<hbm>>) target(%arg5 : memref<40x125xi32, #tpu.memory_space<vmem>>) target_semaphore(%run_scoped3A_45 : memref<!tpu.dma_semaphore, #tpu.memory_space<semaphore_mem>>)
      %dma_wait3A = arith.constant 0 : i32
      %dma_wait3A_54 = arith.constant 0 : i32
      %dma_wait3A_55 = tpu.memref_slice %arg2[%run_scoped3A_24, %add3A, %run_scoped3A_25, %dma_wait3A, %dma_wait3A_54] : memref<2x32x2x40x125xi32, #tpu.memory_space<hbm>> -> memref<1x1x1x40x125xi32, #tpu.memory_space<hbm>>
      %dma_wait3A_56 = tpu.memref_squeeze %dma_wait3A_55 : memref<1x1x1x40x125xi32, #tpu.memory_space<hbm>> -> memref<40x125xi32, #tpu.memory_space<hbm>>
      %dma_wait3A_57 = arith.constant 0 : i32
      %dma_wait3A_58 = arith.constant 0 : i32
      %dma_wait3A_59 = tpu.memref_slice %arg2[%run_scoped3A_24, %add3A, %run_scoped3A_25, %dma_wait3A_57, %dma_wait3A_58] : memref<2x32x2x40x125xi32, #tpu.memory_space<hbm>> -> memref<1x1x1x40x125xi32, #tpu.memory_space<hbm>>
      %dma_wait3A_60 = tpu.memref_squeeze %dma_wait3A_59 : memref<1x1x1x40x125xi32, #tpu.memory_space<hbm>> -> memref<40x125xi32, #tpu.memory_space<hbm>>
      tpu.wait_dma2 semaphore(%run_scoped3A_45 : memref<!tpu.dma_semaphore, #tpu.memory_space<semaphore_mem>>) src(%dma_wait3A_60 : memref<40x125xi32, #tpu.memory_space<hbm>>) dst(%arg5 : memref<40x125xi32, #tpu.memory_space<vmem>>)
      tpu.yield
    }) : () -> ()
    %run_scoped3A_26 = arith.constant 1 : i32
    %run_scoped3A_27 = arith.constant 1 : i32
    "tpu.region"() ({
      %run_scoped3A_45 = tpu.sem_alloc : memref<!tpu.dma_semaphore, #tpu.memory_space<semaphore_mem>>
      %dma_start3A_46 = arith.constant 0 : i32
      %dma_start3A_47 = arith.constant 0 : i32
      %dma_start3A_48 = tpu.memref_slice %arg2[%run_scoped3A_26, %add3A, %run_scoped3A_27, %dma_start3A_46, %dma_start3A_47] : memref<2x32x2x40x125xi32, #tpu.memory_space<hbm>> -> memref<1x1x1x40x125xi32, #tpu.memory_space<hbm>>
      %dma_start3A_49 = tpu.memref_squeeze %dma_start3A_48 : memref<1x1x1x40x125xi32, #tpu.memory_space<hbm>> -> memref<40x125xi32, #tpu.memory_space<hbm>>
      %dma_start3A_50 = arith.constant 0 : i32
      %dma_start3A_51 = arith.constant 0 : i32
      %dma_start3A_52 = tpu.memref_slice %arg2[%run_scoped3A_26, %add3A, %run_scoped3A_27, %dma_start3A_50, %dma_start3A_51] : memref<2x32x2x40x125xi32, #tpu.memory_space<hbm>> -> memref<1x1x1x40x125xi32, #tpu.memory_space<hbm>>
      %dma_start3A_53 = tpu.memref_squeeze %dma_start3A_52 : memref<1x1x1x40x125xi32, #tpu.memory_space<hbm>> -> memref<40x125xi32, #tpu.memory_space<hbm>>
      tpu.enqueue_dma source(%dma_start3A_53 : memref<40x125xi32, #tpu.memory_space<hbm>>) target(%arg6 : memref<40x125xi32, #tpu.memory_space<vmem>>) target_semaphore(%run_scoped3A_45 : memref<!tpu.dma_semaphore, #tpu.memory_space<semaphore_mem>>)
      %dma_wait3A = arith.constant 0 : i32
      %dma_wait3A_54 = arith.constant 0 : i32
      %dma_wait3A_55 = tpu.memref_slice %arg2[%run_scoped3A_26, %add3A, %run_scoped3A_27, %dma_wait3A, %dma_wait3A_54] : memref<2x32x2x40x125xi32, #tpu.memory_space<hbm>> -> memref<1x1x1x40x125xi32, #tpu.memory_space<hbm>>
      %dma_wait3A_56 = tpu.memref_squeeze %dma_wait3A_55 : memref<1x1x1x40x125xi32, #tpu.memory_space<hbm>> -> memref<40x125xi32, #tpu.memory_space<hbm>>
      %dma_wait3A_57 = arith.constant 0 : i32
      %dma_wait3A_58 = arith.constant 0 : i32
      %dma_wait3A_59 = tpu.memref_slice %arg2[%run_scoped3A_26, %add3A, %run_scoped3A_27, %dma_wait3A_57, %dma_wait3A_58] : memref<2x32x2x40x125xi32, #tpu.memory_space<hbm>> -> memref<1x1x1x40x125xi32, #tpu.memory_space<hbm>>
      %dma_wait3A_60 = tpu.memref_squeeze %dma_wait3A_59 : memref<1x1x1x40x125xi32, #tpu.memory_space<hbm>> -> memref<40x125xi32, #tpu.memory_space<hbm>>
      tpu.wait_dma2 semaphore(%run_scoped3A_45 : memref<!tpu.dma_semaphore, #tpu.memory_space<semaphore_mem>>) src(%dma_wait3A_60 : memref<40x125xi32, #tpu.memory_space<hbm>>) dst(%arg6 : memref<40x125xi32, #tpu.memory_space<vmem>>)
      tpu.yield
    }) : () -> ()
    %dma_start3A_28 = arith.constant 0 : i32
    %dma_start3A_29 = arith.constant 0 : i32
    %dma_start3A_30 = tpu.memref_slice %arg5[%dma_start3A_28, %dma_start3A_29] : memref<40x125xi32, #tpu.memory_space<vmem>> -> memref<1x125xi32, #tpu.memory_space<vmem>>
    %dma_start3A_31 = tpu.memref_squeeze %dma_start3A_30 : memref<1x125xi32, #tpu.memory_space<vmem>> -> memref<125xi32, #tpu.memory_space<vmem>>
    %dma_start3A_32 = arith.constant 0 : i32
    %dma_start3A_33 = arith.constant 0 : i32
    %dma_start3A_34 = tpu.memref_slice %arg3[%dma_start3A_32, %dma_start3A_33] : memref<10240x128xf32, #tpu.memory_space<hbm>> -> memref<10240x128xf32, #tpu.memory_space<hbm>>
    tpu.enqueue_indirect_dma source(%dma_start3A_34 : memref<10240x128xf32, #tpu.memory_space<hbm>>) target(%arg7 : memref<125x128xf32, #tpu.memory_space<vmem>>) offsets(%dma_start3A_31 : memref<125xi32, #tpu.memory_space<vmem>>) semaphore(%arg10 : memref<!tpu.dma_semaphore, #tpu.memory_space<semaphore_mem>>)
    %scan3A_35 = arith.constant 0 : i32
    %scan3A_36 = arith.constant 20 : i32
    %scan3A_37 = arith.addi %scan3A_35, %scan3A_36 : i32
    %scan3A_38 = arith.constant 1 : i32
    scf.for %scan3A_45 = %scan3A_35 to %scan3A_37 step %scan3A_38  : i32 {
      %mul3A_46 = arith.constant 2 : i32
      %mul3A_47 = arith.muli %scan3A_45, %mul3A_46 : i32
      %add3A_48 = arith.constant 0 : i32
      %add3A_49 = arith.addi %add3A_48, %mul3A_47 : i32
      %dma_wait3A = arith.constant 0 : i32
      %dma_wait3A_50 = tpu.memref_slice %arg5[%add3A_49, %dma_wait3A] : memref<40x125xi32, #tpu.memory_space<vmem>> -> memref<1x125xi32, #tpu.memory_space<vmem>>
      %dma_wait3A_51 = tpu.memref_squeeze %dma_wait3A_50 : memref<1x125xi32, #tpu.memory_space<vmem>> -> memref<125xi32, #tpu.memory_space<vmem>>
      %dma_wait3A_52 = arith.constant 0 : i32
      %dma_wait3A_53 = arith.constant 0 : i32
      %dma_wait3A_54 = tpu.memref_slice %arg3[%dma_wait3A_52, %dma_wait3A_53] : memref<10240x128xf32, #tpu.memory_space<hbm>> -> memref<10240x128xf32, #tpu.memory_space<hbm>>
      tpu.wait_indirect_dma semaphore(%arg10 : memref<!tpu.dma_semaphore, #tpu.memory_space<semaphore_mem>>) src(%dma_wait3A_54 : memref<10240x128xf32, #tpu.memory_space<hbm>>) dst(%arg7 : memref<125x128xf32, #tpu.memory_space<vmem>>)
      %add3A_55 = arith.constant 1 : i32
      %add3A_56 = arith.addi %add3A_49, %add3A_55 : i32
      %dma_start3A_57 = arith.constant 0 : i32
      %dma_start3A_58 = tpu.memref_slice %arg5[%add3A_56, %dma_start3A_57] : memref<40x125xi32, #tpu.memory_space<vmem>> -> memref<1x125xi32, #tpu.memory_space<vmem>>
      %dma_start3A_59 = tpu.memref_squeeze %dma_start3A_58 : memref<1x125xi32, #tpu.memory_space<vmem>> -> memref<125xi32, #tpu.memory_space<vmem>>
      %dma_start3A_60 = arith.constant 0 : i32
      %dma_start3A_61 = arith.constant 0 : i32
      %dma_start3A_62 = tpu.memref_slice %arg3[%dma_start3A_60, %dma_start3A_61] : memref<10240x128xf32, #tpu.memory_space<hbm>> -> memref<10240x128xf32, #tpu.memory_space<hbm>>
      tpu.enqueue_indirect_dma source(%dma_start3A_62 : memref<10240x128xf32, #tpu.memory_space<hbm>>) target(%arg8 : memref<125x128xf32, #tpu.memory_space<vmem>>) offsets(%dma_start3A_59 : memref<125xi32, #tpu.memory_space<vmem>>) semaphore(%arg11 : memref<!tpu.dma_semaphore, #tpu.memory_space<semaphore_mem>>)
      "tpu.region"() ({
        %run_scoped3A_75 = tpu.sem_alloc : memref<!tpu.dma_semaphore, #tpu.memory_space<semaphore_mem>>
        %dma_start3A_76 = arith.constant 0 : i32
        %dma_start3A_77 = tpu.memref_slice %arg6[%add3A_49, %dma_start3A_76] : memref<40x125xi32, #tpu.memory_space<vmem>> -> memref<1x125xi32, #tpu.memory_space<vmem>>
        %dma_start3A_78 = tpu.memref_squeeze %dma_start3A_77 : memref<1x125xi32, #tpu.memory_space<vmem>> -> memref<125xi32, #tpu.memory_space<vmem>>
        %dma_start3A_79 = arith.constant 0 : i32
        %dma_start3A_80 = arith.constant 0 : i32
        %dma_start3A_81 = tpu.memref_slice %arg9[%dma_start3A_79, %dma_start3A_80] : memref<10240x128xf32, #tpu.memory_space<vmem_shared>> -> memref<10240x128xf32, #tpu.memory_space<vmem_shared>>
        tpu.enqueue_indirect_dma source(%arg7 : memref<125x128xf32, #tpu.memory_space<vmem>>) target(%dma_start3A_81 : memref<10240x128xf32, #tpu.memory_space<vmem_shared>>) offsets(%dma_start3A_78 : memref<125xi32, #tpu.memory_space<vmem>>) semaphore(%run_scoped3A_75 : memref<!tpu.dma_semaphore, #tpu.memory_space<semaphore_mem>>) {add = true}
        %dma_wait3A_82 = arith.constant 0 : i32
        %dma_wait3A_83 = tpu.memref_slice %arg6[%add3A_49, %dma_wait3A_82] : memref<40x125xi32, #tpu.memory_space<vmem>> -> memref<1x125xi32, #tpu.memory_space<vmem>>
        %dma_wait3A_84 = tpu.memref_squeeze %dma_wait3A_83 : memref<1x125xi32, #tpu.memory_space<vmem>> -> memref<125xi32, #tpu.memory_space<vmem>>
        %dma_wait3A_85 = arith.constant 0 : i32
        %dma_wait3A_86 = arith.constant 0 : i32
        %dma_wait3A_87 = tpu.memref_slice %arg9[%dma_wait3A_85, %dma_wait3A_86] : memref<10240x128xf32, #tpu.memory_space<vmem_shared>> -> memref<10240x128xf32, #tpu.memory_space<vmem_shared>>
        tpu.wait_indirect_dma semaphore(%run_scoped3A_75 : memref<!tpu.dma_semaphore, #tpu.memory_space<semaphore_mem>>) src(%arg7 : memref<125x128xf32, #tpu.memory_space<vmem>>) dst(%dma_wait3A_87 : memref<10240x128xf32, #tpu.memory_space<vmem_shared>>)
        tpu.yield
      }) : () -> ()
      %dma_wait3A_63 = arith.constant 0 : i32
      %dma_wait3A_64 = tpu.memref_slice %arg5[%add3A_49, %dma_wait3A_63] : memref<40x125xi32, #tpu.memory_space<vmem>> -> memref<1x125xi32, #tpu.memory_space<vmem>>
      %dma_wait3A_65 = tpu.memref_squeeze %dma_wait3A_64 : memref<1x125xi32, #tpu.memory_space<vmem>> -> memref<125xi32, #tpu.memory_space<vmem>>
      %dma_wait3A_66 = arith.constant 0 : i32
      %dma_wait3A_67 = arith.constant 0 : i32
      %dma_wait3A_68 = tpu.memref_slice %arg3[%dma_wait3A_66, %dma_wait3A_67] : memref<10240x128xf32, #tpu.memory_space<hbm>> -> memref<10240x128xf32, #tpu.memory_space<hbm>>
      tpu.wait_indirect_dma semaphore(%arg11 : memref<!tpu.dma_semaphore, #tpu.memory_space<semaphore_mem>>) src(%dma_wait3A_68 : memref<10240x128xf32, #tpu.memory_space<hbm>>) dst(%arg8 : memref<125x128xf32, #tpu.memory_space<vmem>>)
      %add3A_69 = arith.constant 2 : i32
      %add3A_70 = arith.addi %add3A_49, %add3A_69 : i32
      %lt3A = arith.constant 40 : i32
      %lt3A_71 = arith.cmpi slt, %add3A_70, %lt3A : i32
      %convert_element_type3A = arith.extui %lt3A_71 : i1 to i32
      %cond3A = arith.constant 0 : i32
      %cond3A_72 = arith.cmpi ne, %convert_element_type3A, %cond3A : i32
      scf.if %cond3A_72 {
        %add3A_75 = arith.constant 2 : i32
        %add3A_76 = arith.addi %add3A_49, %add3A_75 : i32
        %dma_start3A_77 = arith.constant 0 : i32
        %dma_start3A_78 = tpu.memref_slice %arg5[%add3A_76, %dma_start3A_77] : memref<40x125xi32, #tpu.memory_space<vmem>> -> memref<1x125xi32, #tpu.memory_space<vmem>>
        %dma_start3A_79 = tpu.memref_squeeze %dma_start3A_78 : memref<1x125xi32, #tpu.memory_space<vmem>> -> memref<125xi32, #tpu.memory_space<vmem>>
        %dma_start3A_80 = arith.constant 0 : i32
        %dma_start3A_81 = arith.constant 0 : i32
        %dma_start3A_82 = tpu.memref_slice %arg3[%dma_start3A_80, %dma_start3A_81] : memref<10240x128xf32, #tpu.memory_space<hbm>> -> memref<10240x128xf32, #tpu.memory_space<hbm>>
        tpu.enqueue_indirect_dma source(%dma_start3A_82 : memref<10240x128xf32, #tpu.memory_space<hbm>>) target(%arg7 : memref<125x128xf32, #tpu.memory_space<vmem>>) offsets(%dma_start3A_79 : memref<125xi32, #tpu.memory_space<vmem>>) semaphore(%arg10 : memref<!tpu.dma_semaphore, #tpu.memory_space<semaphore_mem>>)
      } else {
      }
      %add3A_73 = arith.constant 1 : i32
      %add3A_74 = arith.addi %add3A_49, %add3A_73 : i32
      "tpu.region"() ({
        %run_scoped3A_75 = tpu.sem_alloc : memref<!tpu.dma_semaphore, #tpu.memory_space<semaphore_mem>>
        %dma_start3A_76 = arith.constant 0 : i32
        %dma_start3A_77 = tpu.memref_slice %arg6[%add3A_74, %dma_start3A_76] : memref<40x125xi32, #tpu.memory_space<vmem>> -> memref<1x125xi32, #tpu.memory_space<vmem>>
        %dma_start3A_78 = tpu.memref_squeeze %dma_start3A_77 : memref<1x125xi32, #tpu.memory_space<vmem>> -> memref<125xi32, #tpu.memory_space<vmem>>
        %dma_start3A_79 = arith.constant 0 : i32
        %dma_start3A_80 = arith.constant 0 : i32
        %dma_start3A_81 = tpu.memref_slice %arg9[%dma_start3A_79, %dma_start3A_80] : memref<10240x128xf32, #tpu.memory_space<vmem_shared>> -> memref<10240x128xf32, #tpu.memory_space<vmem_shared>>
        tpu.enqueue_indirect_dma source(%arg8 : memref<125x128xf32, #tpu.memory_space<vmem>>) target(%dma_start3A_81 : memref<10240x128xf32, #tpu.memory_space<vmem_shared>>) offsets(%dma_start3A_78 : memref<125xi32, #tpu.memory_space<vmem>>) semaphore(%run_scoped3A_75 : memref<!tpu.dma_semaphore, #tpu.memory_space<semaphore_mem>>) {add = true}
        %dma_wait3A_82 = arith.constant 0 : i32
        %dma_wait3A_83 = tpu.memref_slice %arg6[%add3A_74, %dma_wait3A_82] : memref<40x125xi32, #tpu.memory_space<vmem>> -> memref<1x125xi32, #tpu.memory_space<vmem>>
        %dma_wait3A_84 = tpu.memref_squeeze %dma_wait3A_83 : memref<1x125xi32, #tpu.memory_space<vmem>> -> memref<125xi32, #tpu.memory_space<vmem>>
        %dma_wait3A_85 = arith.constant 0 : i32
        %dma_wait3A_86 = arith.constant 0 : i32
        %dma_wait3A_87 = tpu.memref_slice %arg9[%dma_wait3A_85, %dma_wait3A_86] : memref<10240x128xf32, #tpu.memory_space<vmem_shared>> -> memref<10240x128xf32, #tpu.memory_space<vmem_shared>>
        tpu.wait_indirect_dma semaphore(%run_scoped3A_75 : memref<!tpu.dma_semaphore, #tpu.memory_space<semaphore_mem>>) src(%arg8 : memref<125x128xf32, #tpu.memory_space<vmem>>) dst(%dma_wait3A_87 : memref<10240x128xf32, #tpu.memory_space<vmem_shared>>)
        tpu.yield
      }) : () -> ()
    }
    %scan3A_39 = arith.constant 20 : i32
    %barrier3A_40 = arith.constant 0 : index
    tpu.barrier barrier_id(%barrier3A_40)
    %mul3A_41 = arith.constant 640 : i32
    %mul3A_42 = arith.muli %arg1, %mul3A_41 : i32
    %mul3A_43 = arith.constant 640 : i32
    %mul3A_44 = arith.muli %arg1, %mul3A_43 : i32
    "tpu.region"() ({
      %run_scoped3A_45 = tpu.sem_alloc : memref<!tpu.dma_semaphore, #tpu.memory_space<semaphore_mem>>
      %dma_start3A_46 = arith.constant 0 : i32
      %dma_start3A_47 = tpu.memref_slice %arg4[%arg0, %mul3A_44, %dma_start3A_46] : memref<2x10240x128xf32, #tpu.memory_space<hbm>> -> memref<1x640x128xf32, #tpu.memory_space<hbm>>
      %dma_start3A_48 = tpu.memref_squeeze %dma_start3A_47 : memref<1x640x128xf32, #tpu.memory_space<hbm>> -> memref<640x128xf32, #tpu.memory_space<hbm>>
      %dma_start3A_49 = arith.constant 0 : i32
      %dma_start3A_50 = tpu.memref_slice %arg9[%mul3A_42, %dma_start3A_49] : memref<10240x128xf32, #tpu.memory_space<vmem_shared>> -> memref<640x128xf32, #tpu.memory_space<vmem_shared>>
      tpu.enqueue_dma source(%dma_start3A_50 : memref<640x128xf32, #tpu.memory_space<vmem_shared>>) target(%dma_start3A_48 : memref<640x128xf32, #tpu.memory_space<hbm>>) target_semaphore(%run_scoped3A_45 : memref<!tpu.dma_semaphore, #tpu.memory_space<semaphore_mem>>)
      %dma_wait3A = arith.constant 0 : i32
      %dma_wait3A_51 = tpu.memref_slice %arg4[%arg0, %mul3A_44, %dma_wait3A] : memref<2x10240x128xf32, #tpu.memory_space<hbm>> -> memref<1x640x128xf32, #tpu.memory_space<hbm>>
      %dma_wait3A_52 = tpu.memref_squeeze %dma_wait3A_51 : memref<1x640x128xf32, #tpu.memory_space<hbm>> -> memref<640x128xf32, #tpu.memory_space<hbm>>
      %dma_wait3A_53 = arith.constant 0 : i32
      %dma_wait3A_54 = tpu.memref_slice %arg9[%mul3A_42, %dma_wait3A_53] : memref<10240x128xf32, #tpu.memory_space<vmem_shared>> -> memref<640x128xf32, #tpu.memory_space<vmem_shared>>
      tpu.wait_dma2 semaphore(%run_scoped3A_45 : memref<!tpu.dma_semaphore, #tpu.memory_space<semaphore_mem>>) src(%dma_wait3A_54 : memref<640x128xf32, #tpu.memory_space<vmem_shared>>) dst(%dma_wait3A_52 : memref<640x128xf32, #tpu.memory_space<hbm>>)
      tpu.yield
    }) : () -> ()
    return
  }
}

module attributes {stable_mosaic.version = 14 : i64} {
  func.func @_prescale_body(%arg0: i32, %arg1: memref<256x128xf32, #tpu.memory_space<vmem>>, %arg2: memref<2x256xf32, #tpu.memory_space<vmem>>, %arg3: memref<128xf32, #tpu.memory_space<vmem>>, %arg4: memref<128xf32, #tpu.memory_space<vmem>>, %arg5: memref<128x128xf32, #tpu.memory_space<vmem>>, %arg6: memref<256x128xf32, #tpu.memory_space<vmem>>) attributes {dimension_semantics = [#tpu.dimension_semantics<arbitrary>], iteration_bounds = array<i64: 40>, scalar_prefetch = 0 : i64, scratch_operands = 0 : i64, tpu.core_type = #tpu.core_type<tc>, window_params = [{transform_indices = @transform_0, window_bounds = array<i64: 256, 128>}, {transform_indices = @transform_1, window_bounds = array<i64: 2, 256>}, {pipeline_mode = #tpu.pipeline_mode<synchronous>, transform_indices = @transform_2, window_bounds = array<i64: 128>}, {pipeline_mode = #tpu.pipeline_mode<synchronous>, transform_indices = @transform_3, window_bounds = array<i64: 128>}, {pipeline_mode = #tpu.pipeline_mode<synchronous>, transform_indices = @transform_4, window_bounds = array<i64: 128, 128>}, {transform_indices = @transform_5, window_bounds = array<i64: 256, 128>}]} {
    %get3A = arith.constant 0 : index
    %get3A_0 = arith.constant 0 : index
    %get3A_1 = vector.load %arg1[%get3A, %get3A_0] : memref<256x128xf32, #tpu.memory_space<vmem>>, vector<256x128xf32>
    %get3A_2 = arith.constant 0 : index
    %get3A_3 = vector.load %arg3[%get3A_2] : memref<128xf32, #tpu.memory_space<vmem>>, vector<128xf32>
    %get3A_4 = arith.constant 0 : index
    %get3A_5 = vector.load %arg4[%get3A_4] : memref<128xf32, #tpu.memory_space<vmem>>, vector<128xf32>
    %reduce_sum3A = arith.constant dense<0.000000e+00> : vector<256xf32>
    %reduce_sum3A_6 = vector.multi_reduction <add>, %get3A_1, %reduce_sum3A [1] : vector<256x128xf32> to vector<256xf32>
    %broadcast_in_dim3A = vector.shape_cast %reduce_sum3A_6 : vector<256xf32> to vector<256x1xf32>
    %div3A = arith.constant 1.280000e+02 : f32
    %div3A_7 = vector.broadcast %div3A : f32 to vector<256x1xf32>
    %div3A_8 = arith.divf %broadcast_in_dim3A, %div3A_7 : vector<256x1xf32>
    %sub3A = vector.broadcast %div3A_8 : vector<256x1xf32> to vector<256x128xf32>
    %sub3A_9 = arith.subf %get3A_1, %sub3A : vector<256x128xf32>
    %integer_pow3A = arith.mulf %sub3A_9, %sub3A_9 : vector<256x128xf32>
    %reduce_sum3A_10 = arith.constant dense<0.000000e+00> : vector<256xf32>
    %reduce_sum3A_11 = vector.multi_reduction <add>, %integer_pow3A, %reduce_sum3A_10 [1] : vector<256x128xf32> to vector<256xf32>
    %broadcast_in_dim3A_12 = vector.shape_cast %reduce_sum3A_11 : vector<256xf32> to vector<256x1xf32>
    %div3A_13 = arith.constant 1.280000e+02 : f32
    %div3A_14 = vector.broadcast %div3A_13 : f32 to vector<256x1xf32>
    %div3A_15 = arith.divf %broadcast_in_dim3A_12, %div3A_14 : vector<256x1xf32>
    %sub3A_16 = vector.broadcast %div3A_8 : vector<256x1xf32> to vector<256x128xf32>
    %sub3A_17 = arith.subf %get3A_1, %sub3A_16 : vector<256x128xf32>
    %add3A = arith.constant 9.99999974E-6 : f32
    %add3A_18 = vector.broadcast %add3A : f32 to vector<256x1xf32>
    %add3A_19 = arith.addf %div3A_15, %add3A_18 : vector<256x1xf32>
    %sqrt3A = math.sqrt %add3A_19 : vector<256x1xf32>
    %div3A_20 = vector.broadcast %sqrt3A : vector<256x1xf32> to vector<256x128xf32>
    %div3A_21 = arith.divf %sub3A_17, %div3A_20 : vector<256x128xf32>
    %broadcast_in_dim3A_22 = vector.shape_cast %get3A_3 : vector<128xf32> to vector<1x128xf32>
    %mul3A = vector.broadcast %broadcast_in_dim3A_22 : vector<1x128xf32> to vector<256x128xf32>
    %mul3A_23 = arith.mulf %div3A_21, %mul3A : vector<256x128xf32>
    %broadcast_in_dim3A_24 = vector.shape_cast %get3A_5 : vector<128xf32> to vector<1x128xf32>
    %add3A_25 = vector.broadcast %broadcast_in_dim3A_24 : vector<1x128xf32> to vector<256x128xf32>
    %add3A_26 = arith.addf %mul3A_23, %add3A_25 : vector<256x128xf32>
    %get3A_27 = arith.constant 0 : index
    %get3A_28 = arith.constant 0 : index
    %get3A_29 = vector.load %arg5[%get3A_27, %get3A_28] : memref<128x128xf32, #tpu.memory_space<vmem>>, vector<128x128xf32>
    %dot_general3A = arith.constant dense<0.000000e+00> : vector<256x128xf32>
    %dot_general3A_30 = tpu.matmul %add3A_26, %get3A_29, %dot_general3A {dimension_numbers = #tpu.dot_dimension_numbers<[1], [1], [0], [0], [0, 0, 1, 0], [], []>, transpose_lhs_hint = false} : vector<256x128xf32>, vector<128x128xf32>, vector<256x128xf32> -> vector<256x128xf32>
    %get3A_31 = arith.constant 0 : index
    %get3A_32 = arith.constant 0 : index
    %get3A_33 = vector.load %arg2[%get3A_31, %get3A_32] : memref<2x256xf32, #tpu.memory_space<vmem>>, vector<2x256xf32>
    %slice3A = vector.extract_strided_slice %get3A_33 {offsets = [0, 0], sizes = [1, 256], strides = [1, 1]} : vector<2x256xf32> to vector<1x256xf32>
    %squeeze3A = vector.shape_cast %slice3A : vector<1x256xf32> to vector<256xf32>
    %slice3A_34 = vector.extract_strided_slice %get3A_33 {offsets = [1, 0], sizes = [1, 256], strides = [1, 1]} : vector<2x256xf32> to vector<1x256xf32>
    %squeeze3A_35 = vector.shape_cast %slice3A_34 : vector<1x256xf32> to vector<256xf32>
    %add3A_36 = arith.addf %squeeze3A, %squeeze3A_35 : vector<256xf32>
    %add3A_37 = arith.constant 1.000000e+00 : f32
    %add3A_38 = vector.broadcast %add3A_37 : f32 to vector<256xf32>
    %add3A_39 = arith.addf %add3A_36, %add3A_38 : vector<256xf32>
    %rsqrt3A = math.rsqrt %add3A_39 : vector<256xf32>
    %broadcast_in_dim3A_40 = vector.shape_cast %rsqrt3A : vector<256xf32> to vector<256x1xf32>
    %mul3A_41 = vector.broadcast %broadcast_in_dim3A_40 : vector<256x1xf32> to vector<256x128xf32>
    %mul3A_42 = arith.mulf %dot_general3A_30, %mul3A_41 : vector<256x128xf32>
    %swap3A = arith.constant 0 : index
    %swap3A_43 = arith.constant 0 : index
    %swap3A_44 = vector.load %arg6[%swap3A, %swap3A_43] : memref<256x128xf32, #tpu.memory_space<vmem>>, vector<256x128xf32>
    tpu.vector_store %arg6[%swap3A, %swap3A_43], %mul3A_42 {strides = array<i32>} : memref<256x128xf32, #tpu.memory_space<vmem>>, vector<256x128xf32>,
    return
  }
  func.func @transform_0(%arg0: i32) -> (i32, i32) {
    %c0_i32 = arith.constant 0 : i32
    %c0_i32_0 = arith.constant 0 : i32
    return %arg0, %c0_i32 : i32, i32
  }
  func.func @transform_1(%arg0: i32) -> (i32, i32) {
    %c0_i32 = arith.constant 0 : i32
    %c0_i32_0 = arith.constant 0 : i32
    return %c0_i32, %arg0 : i32, i32
  }
  func.func @transform_2(%arg0: i32) -> i32 {
    %c0_i32 = arith.constant 0 : i32
    %c0_i32_0 = arith.constant 0 : i32
    return %c0_i32 : i32
  }
  func.func @transform_3(%arg0: i32) -> i32 {
    %c0_i32 = arith.constant 0 : i32
    %c0_i32_0 = arith.constant 0 : i32
    return %c0_i32 : i32
  }
  func.func @transform_4(%arg0: i32) -> (i32, i32) {
    %c0_i32 = arith.constant 0 : i32
    %c0_i32_0 = arith.constant 0 : i32
    %c0_i32_1 = arith.constant 0 : i32
    return %c0_i32, %c0_i32_0 : i32, i32
  }
  func.func @transform_5(%arg0: i32) -> (i32, i32) {
    %c0_i32 = arith.constant 0 : i32
    %c0_i32_0 = arith.constant 0 : i32
    return %arg0, %c0_i32 : i32, i32
  }
}

module attributes {stable_mosaic.version = 14 : i64} {
  func.func @_qkv_body(%arg0: i32, %arg1: memref<256x128xf32, #tpu.memory_space<vmem>>, %arg2: memref<256x128xf32, #tpu.memory_space<vmem>>, %arg3: memref<1x256x128xf32, #tpu.memory_space<vmem>>, %arg4: memref<1x256x128xf32, #tpu.memory_space<vmem>>, %arg5: memref<2x256xf32, #tpu.memory_space<vmem>>, %arg6: memref<128xf32, #tpu.memory_space<vmem>>, %arg7: memref<128xf32, #tpu.memory_space<vmem>>, %arg8: memref<128xf32, #tpu.memory_space<vmem>>, %arg9: memref<128x128xf32, #tpu.memory_space<vmem>>, %arg10: memref<128x128xf32, #tpu.memory_space<vmem>>, %arg11: memref<128x128xf32, #tpu.memory_space<vmem>>, %arg12: memref<128xf32, #tpu.memory_space<vmem>>, %arg13: memref<128xf32, #tpu.memory_space<vmem>>, %arg14: memref<128xf32, #tpu.memory_space<vmem>>, %arg15: memref<256x128xf32, #tpu.memory_space<vmem>>, %arg16: memref<2x256x64xbf16, #tpu.memory_space<vmem>>, %arg17: memref<2x256x64xbf16, #tpu.memory_space<vmem>>, %arg18: memref<2x256x64xbf16, #tpu.memory_space<vmem>>) attributes {dimension_semantics = [#tpu.dimension_semantics<arbitrary>], iteration_bounds = array<i64: 40>, scalar_prefetch = 0 : i64, scratch_operands = 0 : i64, tpu.core_type = #tpu.core_type<tc>, window_params = [{transform_indices = @transform_0, window_bounds = array<i64: 256, 128>}, {transform_indices = @transform_1, window_bounds = array<i64: 256, 128>}, {transform_indices = @transform_2, window_bounds = array<i64: 1, 256, 128>}, {transform_indices = @transform_3, window_bounds = array<i64: 1, 256, 128>}, {transform_indices = @transform_4, window_bounds = array<i64: 2, 256>}, {pipeline_mode = #tpu.pipeline_mode<synchronous>, transform_indices = @transform_5, window_bounds = array<i64: 128>}, {pipeline_mode = #tpu.pipeline_mode<synchronous>, transform_indices = @transform_6, window_bounds = array<i64: 128>}, {pipeline_mode = #tpu.pipeline_mode<synchronous>, transform_indices = @transform_7, window_bounds = array<i64: 128>}, {pipeline_mode = #tpu.pipeline_mode<synchronous>, transform_indices = @transform_8, window_bounds = array<i64: 128, 128>}, {pipeline_mode = #tpu.pipeline_mode<synchronous>, transform_indices = @transform_9, window_bounds = array<i64: 128, 128>}, {pipeline_mode = #tpu.pipeline_mode<synchronous>, transform_indices = @transform_10, window_bounds = array<i64: 128, 128>}, {pipeline_mode = #tpu.pipeline_mode<synchronous>, transform_indices = @transform_11, window_bounds = array<i64: 128>}, {pipeline_mode = #tpu.pipeline_mode<synchronous>, transform_indices = @transform_12, window_bounds = array<i64: 128>}, {pipeline_mode = #tpu.pipeline_mode<synchronous>, transform_indices = @transform_13, window_bounds = array<i64: 128>}, {transform_indices = @transform_14, window_bounds = array<i64: 256, 128>}, {transform_indices = @transform_15, window_bounds = array<i64: 2, 256, 64>}, {transform_indices = @transform_16, window_bounds = array<i64: 2, 256, 64>}, {transform_indices = @transform_17, window_bounds = array<i64: 2, 256, 64>}]} {
    %get3A = arith.constant 0 : index
    %get3A_0 = arith.constant 0 : index
    %get3A_1 = vector.load %arg1[%get3A, %get3A_0] : memref<256x128xf32, #tpu.memory_space<vmem>>, vector<256x128xf32>
    %get3A_2 = arith.constant 0 : index
    %get3A_3 = vector.load %arg6[%get3A_2] : memref<128xf32, #tpu.memory_space<vmem>>, vector<128xf32>
    %broadcast_in_dim3A = vector.shape_cast %get3A_3 : vector<128xf32> to vector<1x128xf32>
    %add3A = vector.broadcast %broadcast_in_dim3A : vector<1x128xf32> to vector<256x128xf32>
    %add3A_4 = arith.addf %get3A_1, %add3A : vector<256x128xf32>
    %get3A_5 = arith.constant 0 : index
    %get3A_6 = arith.constant 0 : index
    %get3A_7 = vector.load %arg5[%get3A_5, %get3A_6] : memref<2x256xf32, #tpu.memory_space<vmem>>, vector<2x256xf32>
    %slice3A = vector.extract_strided_slice %get3A_7 {offsets = [0, 0], sizes = [1, 256], strides = [1, 1]} : vector<2x256xf32> to vector<1x256xf32>
    %squeeze3A = vector.shape_cast %slice3A : vector<1x256xf32> to vector<256xf32>
    %slice3A_8 = vector.extract_strided_slice %get3A_7 {offsets = [1, 0], sizes = [1, 256], strides = [1, 1]} : vector<2x256xf32> to vector<1x256xf32>
    %squeeze3A_9 = vector.shape_cast %slice3A_8 : vector<1x256xf32> to vector<256xf32>
    %add3A_10 = arith.addf %squeeze3A, %squeeze3A_9 : vector<256xf32>
    %add3A_11 = arith.constant 1.000000e+00 : f32
    %add3A_12 = vector.broadcast %add3A_11 : f32 to vector<256xf32>
    %add3A_13 = arith.addf %add3A_10, %add3A_12 : vector<256xf32>
    %rsqrt3A = math.rsqrt %add3A_13 : vector<256xf32>
    %broadcast_in_dim3A_14 = vector.shape_cast %rsqrt3A : vector<256xf32> to vector<256x1xf32>
    %get3A_15 = arith.constant 0 : index
    %get3A_16 = arith.constant 0 : index
    %get3A_17 = arith.constant 0 : index
    %get3A_18 = vector.load %arg3[%get3A_15, %get3A_16, %get3A_17] : memref<1x256x128xf32, #tpu.memory_space<vmem>>, vector<1x256x128xf32>
    %get3A_19 = vector.shape_cast %get3A_18 : vector<1x256x128xf32> to vector<256x128xf32>
    %get3A_20 = arith.constant 0 : index
    %get3A_21 = arith.constant 0 : index
    %get3A_22 = arith.constant 0 : index
    %get3A_23 = vector.load %arg4[%get3A_20, %get3A_21, %get3A_22] : memref<1x256x128xf32, #tpu.memory_space<vmem>>, vector<1x256x128xf32>
    %get3A_24 = vector.shape_cast %get3A_23 : vector<1x256x128xf32> to vector<256x128xf32>
    %add3A_25 = arith.addf %get3A_19, %get3A_24 : vector<256x128xf32>
    %get3A_26 = arith.constant 0 : index
    %get3A_27 = arith.constant 0 : index
    %get3A_28 = vector.load %arg2[%get3A_26, %get3A_27] : memref<256x128xf32, #tpu.memory_space<vmem>>, vector<256x128xf32>
    %add3A_29 = arith.addf %add3A_25, %get3A_28 : vector<256x128xf32>
    %mul3A = vector.broadcast %broadcast_in_dim3A_14 : vector<256x1xf32> to vector<256x128xf32>
    %mul3A_30 = arith.mulf %mul3A, %add3A_29 : vector<256x128xf32>
    %add3A_31 = arith.addf %add3A_4, %mul3A_30 : vector<256x128xf32>
    %swap3A = arith.constant 0 : index
    %swap3A_32 = arith.constant 0 : index
    %swap3A_33 = vector.load %arg15[%swap3A, %swap3A_32] : memref<256x128xf32, #tpu.memory_space<vmem>>, vector<256x128xf32>
    tpu.vector_store %arg15[%swap3A, %swap3A_32], %add3A_31 {strides = array<i32>} : memref<256x128xf32, #tpu.memory_space<vmem>>, vector<256x128xf32>,
    %get3A_34 = arith.constant 0 : index
    %get3A_35 = vector.load %arg7[%get3A_34] : memref<128xf32, #tpu.memory_space<vmem>>, vector<128xf32>
    %get3A_36 = arith.constant 0 : index
    %get3A_37 = vector.load %arg8[%get3A_36] : memref<128xf32, #tpu.memory_space<vmem>>, vector<128xf32>
    %reduce_sum3A = arith.constant dense<0.000000e+00> : vector<256xf32>
    %reduce_sum3A_38 = vector.multi_reduction <add>, %add3A_31, %reduce_sum3A [1] : vector<256x128xf32> to vector<256xf32>
    %broadcast_in_dim3A_39 = vector.shape_cast %reduce_sum3A_38 : vector<256xf32> to vector<256x1xf32>
    %div3A = arith.constant 1.280000e+02 : f32
    %div3A_40 = vector.broadcast %div3A : f32 to vector<256x1xf32>
    %div3A_41 = arith.divf %broadcast_in_dim3A_39, %div3A_40 : vector<256x1xf32>
    %sub3A = vector.broadcast %div3A_41 : vector<256x1xf32> to vector<256x128xf32>
    %sub3A_42 = arith.subf %add3A_31, %sub3A : vector<256x128xf32>
    %integer_pow3A = arith.mulf %sub3A_42, %sub3A_42 : vector<256x128xf32>
    %reduce_sum3A_43 = arith.constant dense<0.000000e+00> : vector<256xf32>
    %reduce_sum3A_44 = vector.multi_reduction <add>, %integer_pow3A, %reduce_sum3A_43 [1] : vector<256x128xf32> to vector<256xf32>
    %broadcast_in_dim3A_45 = vector.shape_cast %reduce_sum3A_44 : vector<256xf32> to vector<256x1xf32>
    %div3A_46 = arith.constant 1.280000e+02 : f32
    %div3A_47 = vector.broadcast %div3A_46 : f32 to vector<256x1xf32>
    %div3A_48 = arith.divf %broadcast_in_dim3A_45, %div3A_47 : vector<256x1xf32>
    %sub3A_49 = vector.broadcast %div3A_41 : vector<256x1xf32> to vector<256x128xf32>
    %sub3A_50 = arith.subf %add3A_31, %sub3A_49 : vector<256x128xf32>
    %add3A_51 = arith.constant 9.99999974E-6 : f32
    %add3A_52 = vector.broadcast %add3A_51 : f32 to vector<256x1xf32>
    %add3A_53 = arith.addf %div3A_48, %add3A_52 : vector<256x1xf32>
    %sqrt3A = math.sqrt %add3A_53 : vector<256x1xf32>
    %div3A_54 = vector.broadcast %sqrt3A : vector<256x1xf32> to vector<256x128xf32>
    %div3A_55 = arith.divf %sub3A_50, %div3A_54 : vector<256x128xf32>
    %broadcast_in_dim3A_56 = vector.shape_cast %get3A_35 : vector<128xf32> to vector<1x128xf32>
    %mul3A_57 = vector.broadcast %broadcast_in_dim3A_56 : vector<1x128xf32> to vector<256x128xf32>
    %mul3A_58 = arith.mulf %div3A_55, %mul3A_57 : vector<256x128xf32>
    %broadcast_in_dim3A_59 = vector.shape_cast %get3A_37 : vector<128xf32> to vector<1x128xf32>
    %add3A_60 = vector.broadcast %broadcast_in_dim3A_59 : vector<1x128xf32> to vector<256x128xf32>
    %add3A_61 = arith.addf %mul3A_58, %add3A_60 : vector<256x128xf32>
    %convert_element_type3A = arith.truncf %add3A_61 : vector<256x128xf32> to vector<256x128xbf16>
    %get3A_62 = arith.constant 0 : index
    %get3A_63 = arith.constant 0 : index
    %get3A_64 = vector.load %arg9[%get3A_62, %get3A_63] : memref<128x128xf32, #tpu.memory_space<vmem>>, vector<128x128xf32>
    %convert_element_type3A_65 = arith.truncf %get3A_64 : vector<128x128xf32> to vector<128x128xbf16>
    %dot_general3A = arith.constant dense<0.000000e+00> : vector<256x128xf32>
    %dot_general3A_66 = tpu.matmul %convert_element_type3A, %convert_element_type3A_65, %dot_general3A {dimension_numbers = #tpu.dot_dimension_numbers<[1], [1], [0], [0], [0, 0, 1, 0], [], []>, transpose_lhs_hint = false} : vector<256x128xbf16>, vector<128x128xbf16>, vector<256x128xf32> -> vector<256x128xf32>
    %get3A_67 = arith.constant 0 : index
    %get3A_68 = vector.load %arg12[%get3A_67] : memref<128xf32, #tpu.memory_space<vmem>>, vector<128xf32>
    %broadcast_in_dim3A_69 = vector.shape_cast %get3A_68 : vector<128xf32> to vector<1x128xf32>
    %add3A_70 = vector.broadcast %broadcast_in_dim3A_69 : vector<1x128xf32> to vector<256x128xf32>
    %add3A_71 = arith.addf %dot_general3A_66, %add3A_70 : vector<256x128xf32>
    %get3A_72 = arith.constant 0 : index
    %get3A_73 = arith.constant 0 : index
    %get3A_74 = vector.load %arg10[%get3A_72, %get3A_73] : memref<128x128xf32, #tpu.memory_space<vmem>>, vector<128x128xf32>
    %convert_element_type3A_75 = arith.truncf %get3A_74 : vector<128x128xf32> to vector<128x128xbf16>
    %dot_general3A_76 = arith.constant dense<0.000000e+00> : vector<256x128xf32>
    %dot_general3A_77 = tpu.matmul %convert_element_type3A, %convert_element_type3A_75, %dot_general3A_76 {dimension_numbers = #tpu.dot_dimension_numbers<[1], [1], [0], [0], [0, 0, 1, 0], [], []>, transpose_lhs_hint = false} : vector<256x128xbf16>, vector<128x128xbf16>, vector<256x128xf32> -> vector<256x128xf32>
    %get3A_78 = arith.constant 0 : index
    %get3A_79 = vector.load %arg13[%get3A_78] : memref<128xf32, #tpu.memory_space<vmem>>, vector<128xf32>
    %broadcast_in_dim3A_80 = vector.shape_cast %get3A_79 : vector<128xf32> to vector<1x128xf32>
    %add3A_81 = vector.broadcast %broadcast_in_dim3A_80 : vector<1x128xf32> to vector<256x128xf32>
    %add3A_82 = arith.addf %dot_general3A_77, %add3A_81 : vector<256x128xf32>
    %get3A_83 = arith.constant 0 : index
    %get3A_84 = arith.constant 0 : index
    %get3A_85 = vector.load %arg11[%get3A_83, %get3A_84] : memref<128x128xf32, #tpu.memory_space<vmem>>, vector<128x128xf32>
    %convert_element_type3A_86 = arith.truncf %get3A_85 : vector<128x128xf32> to vector<128x128xbf16>
    %dot_general3A_87 = arith.constant dense<0.000000e+00> : vector<256x128xf32>
    %dot_general3A_88 = tpu.matmul %convert_element_type3A, %convert_element_type3A_86, %dot_general3A_87 {dimension_numbers = #tpu.dot_dimension_numbers<[1], [1], [0], [0], [0, 0, 1, 0], [], []>, transpose_lhs_hint = false} : vector<256x128xbf16>, vector<128x128xbf16>, vector<256x128xf32> -> vector<256x128xf32>
    %get3A_89 = arith.constant 0 : index
    %get3A_90 = vector.load %arg14[%get3A_89] : memref<128xf32, #tpu.memory_space<vmem>>, vector<128xf32>
    %broadcast_in_dim3A_91 = vector.shape_cast %get3A_90 : vector<128xf32> to vector<1x128xf32>
    %add3A_92 = vector.broadcast %broadcast_in_dim3A_91 : vector<1x128xf32> to vector<256x128xf32>
    %add3A_93 = arith.addf %dot_general3A_88, %add3A_92 : vector<256x128xf32>
    %mul3A_94 = arith.constant 0.180336878 : f32
    %mul3A_95 = vector.broadcast %mul3A_94 : f32 to vector<256x128xf32>
    %mul3A_96 = arith.mulf %add3A_71, %mul3A_95 : vector<256x128xf32>
    %convert_element_type3A_97 = arith.truncf %mul3A_96 : vector<256x128xf32> to vector<256x128xbf16>
    %convert_element_type3A_98 = arith.truncf %add3A_82 : vector<256x128xf32> to vector<256x128xbf16>
    %mul3A_99 = arith.constant 256 : i32
    %mul3A_100 = arith.muli %arg0, %mul3A_99 : i32
    %iota3A = tpu.iota {dimensions = array<i32: 0>} : vector<256x1xi32>
    %add3A_101 = vector.broadcast %mul3A_100 : i32 to vector<256x1xi32>
    %add3A_102 = arith.addi %add3A_101, %iota3A : vector<256x1xi32>
    %lt3A = arith.constant 10000 : i32
    %lt3A_103 = vector.broadcast %lt3A : i32 to vector<256x1xi32>
    %lt3A_104 = arith.cmpi slt, %add3A_102, %lt3A_103 : vector<256x1xi32>
    %jit3A = arith.constant 0.000000e+00 : f32
    %broadcast_in_dim3A_105 = vector.shape_cast %lt3A_104 : vector<256x1xi1> to vector<256x1xi1>
    %broadcast_in_dim3A_106 = vector.broadcast %broadcast_in_dim3A_105 : vector<256x1xi1> to vector<256x128xi1>
    %broadcast_in_dim3A_107 = vector.broadcast %jit3A : f32 to vector<256x128xf32>
    %select_n3A = arith.select %broadcast_in_dim3A_106, %add3A_93, %broadcast_in_dim3A_107 : vector<256x128xi1>, vector<256x128xf32>
    %convert_element_type3A_108 = arith.truncf %select_n3A : vector<256x128xf32> to vector<256x128xbf16>
    %slice3A_109 = vector.extract_strided_slice %convert_element_type3A_97 {offsets = [0, 0], sizes = [256, 64], strides = [1, 1]} : vector<256x128xbf16> to vector<256x64xbf16>
    %swap3A_110 = arith.constant 0 : index
    %swap3A_111 = arith.constant 0 : index
    %swap3A_112 = arith.constant 0 : index
    %swap3A_113 = vector.load %arg16[%swap3A_110, %swap3A_111, %swap3A_112] : memref<2x256x64xbf16, #tpu.memory_space<vmem>>, vector<1x256x64xbf16>
    %swap3A_114 = vector.shape_cast %swap3A_113 : vector<1x256x64xbf16> to vector<256x64xbf16>
    %swap3A_115 = vector.shape_cast %slice3A_109 : vector<256x64xbf16> to vector<1x256x64xbf16>
    tpu.vector_store %arg16[%swap3A_110, %swap3A_111, %swap3A_112], %swap3A_115 {strides = array<i32>} : memref<2x256x64xbf16, #tpu.memory_space<vmem>>, vector<1x256x64xbf16>,
    %slice3A_116 = vector.extract_strided_slice %convert_element_type3A_97 {offsets = [0, 64], sizes = [256, 64], strides = [1, 1]} : vector<256x128xbf16> to vector<256x64xbf16>
    %swap3A_117 = arith.constant 1 : index
    %swap3A_118 = arith.constant 0 : index
    %swap3A_119 = arith.constant 0 : index
    %swap3A_120 = vector.load %arg16[%swap3A_117, %swap3A_118, %swap3A_119] : memref<2x256x64xbf16, #tpu.memory_space<vmem>>, vector<1x256x64xbf16>
    %swap3A_121 = vector.shape_cast %swap3A_120 : vector<1x256x64xbf16> to vector<256x64xbf16>
    %swap3A_122 = vector.shape_cast %slice3A_116 : vector<256x64xbf16> to vector<1x256x64xbf16>
    tpu.vector_store %arg16[%swap3A_117, %swap3A_118, %swap3A_119], %swap3A_122 {strides = array<i32>} : memref<2x256x64xbf16, #tpu.memory_space<vmem>>, vector<1x256x64xbf16>,
    %slice3A_123 = vector.extract_strided_slice %convert_element_type3A_98 {offsets = [0, 0], sizes = [256, 64], strides = [1, 1]} : vector<256x128xbf16> to vector<256x64xbf16>
    %swap3A_124 = arith.constant 0 : index
    %swap3A_125 = arith.constant 0 : index
    %swap3A_126 = arith.constant 0 : index
    %swap3A_127 = vector.load %arg17[%swap3A_124, %swap3A_125, %swap3A_126] : memref<2x256x64xbf16, #tpu.memory_space<vmem>>, vector<1x256x64xbf16>
    %swap3A_128 = vector.shape_cast %swap3A_127 : vector<1x256x64xbf16> to vector<256x64xbf16>
    %swap3A_129 = vector.shape_cast %slice3A_123 : vector<256x64xbf16> to vector<1x256x64xbf16>
    tpu.vector_store %arg17[%swap3A_124, %swap3A_125, %swap3A_126], %swap3A_129 {strides = array<i32>} : memref<2x256x64xbf16, #tpu.memory_space<vmem>>, vector<1x256x64xbf16>,
    %slice3A_130 = vector.extract_strided_slice %convert_element_type3A_98 {offsets = [0, 64], sizes = [256, 64], strides = [1, 1]} : vector<256x128xbf16> to vector<256x64xbf16>
    %swap3A_131 = arith.constant 1 : index
    %swap3A_132 = arith.constant 0 : index
    %swap3A_133 = arith.constant 0 : index
    %swap3A_134 = vector.load %arg17[%swap3A_131, %swap3A_132, %swap3A_133] : memref<2x256x64xbf16, #tpu.memory_space<vmem>>, vector<1x256x64xbf16>
    %swap3A_135 = vector.shape_cast %swap3A_134 : vector<1x256x64xbf16> to vector<256x64xbf16>
    %swap3A_136 = vector.shape_cast %slice3A_130 : vector<256x64xbf16> to vector<1x256x64xbf16>
    tpu.vector_store %arg17[%swap3A_131, %swap3A_132, %swap3A_133], %swap3A_136 {strides = array<i32>} : memref<2x256x64xbf16, #tpu.memory_space<vmem>>, vector<1x256x64xbf16>,
    %slice3A_137 = vector.extract_strided_slice %convert_element_type3A_108 {offsets = [0, 0], sizes = [256, 64], strides = [1, 1]} : vector<256x128xbf16> to vector<256x64xbf16>
    %swap3A_138 = arith.constant 0 : index
    %swap3A_139 = arith.constant 0 : index
    %swap3A_140 = arith.constant 0 : index
    %swap3A_141 = vector.load %arg18[%swap3A_138, %swap3A_139, %swap3A_140] : memref<2x256x64xbf16, #tpu.memory_space<vmem>>, vector<1x256x64xbf16>
    %swap3A_142 = vector.shape_cast %swap3A_141 : vector<1x256x64xbf16> to vector<256x64xbf16>
    %swap3A_143 = vector.shape_cast %slice3A_137 : vector<256x64xbf16> to vector<1x256x64xbf16>
    tpu.vector_store %arg18[%swap3A_138, %swap3A_139, %swap3A_140], %swap3A_143 {strides = array<i32>} : memref<2x256x64xbf16, #tpu.memory_space<vmem>>, vector<1x256x64xbf16>,
    %slice3A_144 = vector.extract_strided_slice %convert_element_type3A_108 {offsets = [0, 64], sizes = [256, 64], strides = [1, 1]} : vector<256x128xbf16> to vector<256x64xbf16>
    %swap3A_145 = arith.constant 1 : index
    %swap3A_146 = arith.constant 0 : index
    %swap3A_147 = arith.constant 0 : index
    %swap3A_148 = vector.load %arg18[%swap3A_145, %swap3A_146, %swap3A_147] : memref<2x256x64xbf16, #tpu.memory_space<vmem>>, vector<1x256x64xbf16>
    %swap3A_149 = vector.shape_cast %swap3A_148 : vector<1x256x64xbf16> to vector<256x64xbf16>
    %swap3A_150 = vector.shape_cast %slice3A_144 : vector<256x64xbf16> to vector<1x256x64xbf16>
    tpu.vector_store %arg18[%swap3A_145, %swap3A_146, %swap3A_147], %swap3A_150 {strides = array<i32>} : memref<2x256x64xbf16, #tpu.memory_space<vmem>>, vector<1x256x64xbf16>,
    return
  }
  func.func @transform_0(%arg0: i32) -> (i32, i32) {
    %c0_i32 = arith.constant 0 : i32
    %c0_i32_0 = arith.constant 0 : i32
    return %arg0, %c0_i32 : i32, i32
  }
  func.func @transform_1(%arg0: i32) -> (i32, i32) {
    %c0_i32 = arith.constant 0 : i32
    %c0_i32_0 = arith.constant 0 : i32
    return %arg0, %c0_i32 : i32, i32
  }
  func.func @transform_2(%arg0: i32) -> (i32, i32, i32) {
    %c0_i32 = arith.constant 0 : i32
    %c0_i32_0 = arith.constant 0 : i32
    %c0_i32_1 = arith.constant 0 : i32
    return %c0_i32, %arg0, %c0_i32_0 : i32, i32, i32
  }
  func.func @transform_3(%arg0: i32) -> (i32, i32, i32) {
    %c1_i32 = arith.constant 1 : i32
    %c0_i32 = arith.constant 0 : i32
    %c0_i32_0 = arith.constant 0 : i32
    return %c1_i32, %arg0, %c0_i32 : i32, i32, i32
  }
  func.func @transform_4(%arg0: i32) -> (i32, i32) {
    %c0_i32 = arith.constant 0 : i32
    %c0_i32_0 = arith.constant 0 : i32
    return %c0_i32, %arg0 : i32, i32
  }
  func.func @transform_5(%arg0: i32) -> i32 {
    %c0_i32 = arith.constant 0 : i32
    %c0_i32_0 = arith.constant 0 : i32
    return %c0_i32 : i32
  }
  func.func @transform_6(%arg0: i32) -> i32 {
    %c0_i32 = arith.constant 0 : i32
    %c0_i32_0 = arith.constant 0 : i32
    return %c0_i32 : i32
  }
  func.func @transform_7(%arg0: i32) -> i32 {
    %c0_i32 = arith.constant 0 : i32
    %c0_i32_0 = arith.constant 0 : i32
    return %c0_i32 : i32
  }
  func.func @transform_8(%arg0: i32) -> (i32, i32) {
    %c0_i32 = arith.constant 0 : i32
    %c0_i32_0 = arith.constant 0 : i32
    %c0_i32_1 = arith.constant 0 : i32
    return %c0_i32, %c0_i32_0 : i32, i32
  }
  func.func @transform_9(%arg0: i32) -> (i32, i32) {
    %c0_i32 = arith.constant 0 : i32
    %c0_i32_0 = arith.constant 0 : i32
    %c0_i32_1 = arith.constant 0 : i32
    return %c0_i32, %c0_i32_0 : i32, i32
  }
  func.func @transform_10(%arg0: i32) -> (i32, i32) {
    %c0_i32 = arith.constant 0 : i32
    %c0_i32_0 = arith.constant 0 : i32
    %c0_i32_1 = arith.constant 0 : i32
    return %c0_i32, %c0_i32_0 : i32, i32
  }
  func.func @transform_11(%arg0: i32) -> i32 {
    %c0_i32 = arith.constant 0 : i32
    %c0_i32_0 = arith.constant 0 : i32
    return %c0_i32 : i32
  }
  func.func @transform_12(%arg0: i32) -> i32 {
    %c0_i32 = arith.constant 0 : i32
    %c0_i32_0 = arith.constant 0 : i32
    return %c0_i32 : i32
  }
  func.func @transform_13(%arg0: i32) -> i32 {
    %c0_i32 = arith.constant 0 : i32
    %c0_i32_0 = arith.constant 0 : i32
    return %c0_i32 : i32
  }
  func.func @transform_14(%arg0: i32) -> (i32, i32) {
    %c0_i32 = arith.constant 0 : i32
    %c0_i32_0 = arith.constant 0 : i32
    return %arg0, %c0_i32 : i32, i32
  }
  func.func @transform_15(%arg0: i32) -> (i32, i32, i32) {
    %c0_i32 = arith.constant 0 : i32
    %c0_i32_0 = arith.constant 0 : i32
    %c0_i32_1 = arith.constant 0 : i32
    return %c0_i32, %arg0, %c0_i32_0 : i32, i32, i32
  }
  func.func @transform_16(%arg0: i32) -> (i32, i32, i32) {
    %c0_i32 = arith.constant 0 : i32
    %c0_i32_0 = arith.constant 0 : i32
    %c0_i32_1 = arith.constant 0 : i32
    return %c0_i32, %arg0, %c0_i32_0 : i32, i32, i32
  }
  func.func @transform_17(%arg0: i32) -> (i32, i32, i32) {
    %c0_i32 = arith.constant 0 : i32
    %c0_i32_0 = arith.constant 0 : i32
    %c0_i32_1 = arith.constant 0 : i32
    return %c0_i32, %arg0, %c0_i32_0 : i32, i32, i32
  }
}

module attributes {stable_mosaic.version = 14 : i64} {
  func.func @_attnpost_body(%arg0: i32, %arg1: memref<2x400x64xbf16, #tpu.memory_space<vmem>>, %arg2: memref<2x10240x64xbf16, #tpu.memory_space<vmem>>, %arg3: memref<2x10240x64xbf16, #tpu.memory_space<vmem>>, %arg4: memref<400x128xf32, #tpu.memory_space<vmem>>, %arg5: memref<128x128xf32, #tpu.memory_space<vmem>>, %arg6: memref<128xf32, #tpu.memory_space<vmem>>, %arg7: memref<128xf32, #tpu.memory_space<vmem>>, %arg8: memref<128xf32, #tpu.memory_space<vmem>>, %arg9: memref<256x128xf32, #tpu.memory_space<vmem>>, %arg10: memref<256xf32, #tpu.memory_space<vmem>>, %arg11: memref<128x256xf32, #tpu.memory_space<vmem>>, %arg12: memref<128xf32, #tpu.memory_space<vmem>>, %arg13: memref<400x128xf32, #tpu.memory_space<vmem>>) attributes {dimension_semantics = [#tpu.dimension_semantics<arbitrary>], iteration_bounds = array<i64: 25>, scalar_prefetch = 0 : i64, scratch_operands = 0 : i64, tpu.core_type = #tpu.core_type<tc>, window_params = [{transform_indices = @transform_0, window_bounds = array<i64: 2, 400, 64>}, {pipeline_mode = #tpu.pipeline_mode<synchronous>, transform_indices = @transform_1, window_bounds = array<i64: 2, 10240, 64>}, {pipeline_mode = #tpu.pipeline_mode<synchronous>, transform_indices = @transform_2, window_bounds = array<i64: 2, 10240, 64>}, {transform_indices = @transform_3, window_bounds = array<i64: 400, 128>}, {pipeline_mode = #tpu.pipeline_mode<synchronous>, transform_indices = @transform_4, window_bounds = array<i64: 128, 128>}, {pipeline_mode = #tpu.pipeline_mode<synchronous>, transform_indices = @transform_5, window_bounds = array<i64: 128>}, {pipeline_mode = #tpu.pipeline_mode<synchronous>, transform_indices = @transform_6, window_bounds = array<i64: 128>}, {pipeline_mode = #tpu.pipeline_mode<synchronous>, transform_indices = @transform_7, window_bounds = array<i64: 128>}, {pipeline_mode = #tpu.pipeline_mode<synchronous>, transform_indices = @transform_8, window_bounds = array<i64: 256, 128>}, {pipeline_mode = #tpu.pipeline_mode<synchronous>, transform_indices = @transform_9, window_bounds = array<i64: 256>}, {pipeline_mode = #tpu.pipeline_mode<synchronous>, transform_indices = @transform_10, window_bounds = array<i64: 128, 256>}, {pipeline_mode = #tpu.pipeline_mode<synchronous>, transform_indices = @transform_11, window_bounds = array<i64: 128>}, {transform_indices = @transform_12, window_bounds = array<i64: 400, 128>}]} {
    %iota3A = tpu.iota {dimensions = array<i32: 1>} : vector<400x256xi32>
    %get3A = arith.constant 0 : index
    %get3A_0 = arith.constant 0 : index
    %get3A_1 = arith.constant 0 : index
    %get3A_2 = vector.load %arg1[%get3A, %get3A_0, %get3A_1] : memref<2x400x64xbf16, #tpu.memory_space<vmem>>, vector<1x400x64xbf16>
    %get3A_3 = vector.shape_cast %get3A_2 : vector<1x400x64xbf16> to vector<400x64xbf16>
    %get3A_4 = arith.constant 0 : index
    %get3A_5 = arith.constant 0 : index
    %get3A_6 = arith.constant 0 : index
    %get3A_7 = vector.load %arg2[%get3A_4, %get3A_5, %get3A_6] : memref<2x10240x64xbf16, #tpu.memory_space<vmem>>, vector<1x10240x64xbf16>
    %get3A_8 = vector.shape_cast %get3A_7 : vector<1x10240x64xbf16> to vector<10240x64xbf16>
    %dot_general3A = arith.constant dense<0.000000e+00> : vector<400x10240xf32>
    %dot_general3A_9 = tpu.matmul %get3A_3, %get3A_8, %dot_general3A {dimension_numbers = #tpu.dot_dimension_numbers<[1], [1], [0], [0], [0, 0, 1, 0], [], []>, transpose_lhs_hint = false} : vector<400x64xbf16>, vector<10240x64xbf16>, vector<400x10240xf32> -> vector<400x10240xf32>
    %exp23A = math.exp2 %dot_general3A_9 : vector<400x10240xf32>
    %reduce_sum3A = arith.constant dense<0.000000e+00> : vector<400xf32>
    %reduce_sum3A_10 = vector.multi_reduction <add>, %exp23A, %reduce_sum3A [1] : vector<400x10240xf32> to vector<400xf32>
    %broadcast_in_dim3A = vector.shape_cast %reduce_sum3A_10 : vector<400xf32> to vector<400x1xf32>
    %slice3A = vector.extract_strided_slice %exp23A {offsets = [0, 9984], sizes = [400, 256], strides = [1, 1]} : vector<400x10240xf32> to vector<400x256xf32>
    %ge3A = arith.constant 16 : i32
    %ge3A_11 = vector.broadcast %ge3A : i32 to vector<400x256xi32>
    %ge3A_12 = arith.cmpi sge, %iota3A, %ge3A_11 : vector<400x256xi32>
    %jit3A = arith.constant 0.000000e+00 : f32
    %broadcast_in_dim3A_13 = vector.broadcast %jit3A : f32 to vector<400x256xf32>
    %select_n3A = arith.select %ge3A_12, %slice3A, %broadcast_in_dim3A_13 : vector<400x256xi1>, vector<400x256xf32>
    %reduce_sum3A_14 = arith.constant dense<0.000000e+00> : vector<400xf32>
    %reduce_sum3A_15 = vector.multi_reduction <add>, %select_n3A, %reduce_sum3A_14 [1] : vector<400x256xf32> to vector<400xf32>
    %broadcast_in_dim3A_16 = vector.shape_cast %reduce_sum3A_15 : vector<400xf32> to vector<400x1xf32>
    %convert_element_type3A = arith.truncf %exp23A : vector<400x10240xf32> to vector<400x10240xbf16>
    %get3A_17 = arith.constant 0 : index
    %get3A_18 = arith.constant 0 : index
    %get3A_19 = arith.constant 0 : index
    %get3A_20 = vector.load %arg3[%get3A_17, %get3A_18, %get3A_19] : memref<2x10240x64xbf16, #tpu.memory_space<vmem>>, vector<1x10240x64xbf16>
    %get3A_21 = vector.shape_cast %get3A_20 : vector<1x10240x64xbf16> to vector<10240x64xbf16>
    %dot_general3A_22 = arith.constant dense<0.000000e+00> : vector<400x64xf32>
    %dot_general3A_23 = tpu.matmul %convert_element_type3A, %get3A_21, %dot_general3A_22 {dimension_numbers = #tpu.dot_dimension_numbers<[1], [0], [0], [1], [0, 0, 1, 1], [], []>, transpose_lhs_hint = false} : vector<400x10240xbf16>, vector<10240x64xbf16>, vector<400x64xf32> -> vector<400x64xf32>
    %sub3A = arith.subf %broadcast_in_dim3A, %broadcast_in_dim3A_16 : vector<400x1xf32>
    %div3A = vector.broadcast %sub3A : vector<400x1xf32> to vector<400x64xf32>
    %div3A_24 = arith.divf %dot_general3A_23, %div3A : vector<400x64xf32>
    %convert_element_type3A_25 = arith.truncf %div3A_24 : vector<400x64xf32> to vector<400x64xbf16>
    %get3A_26 = arith.constant 1 : index
    %get3A_27 = arith.constant 0 : index
    %get3A_28 = arith.constant 0 : index
    %get3A_29 = vector.load %arg1[%get3A_26, %get3A_27, %get3A_28] : memref<2x400x64xbf16, #tpu.memory_space<vmem>>, vector<1x400x64xbf16>
    %get3A_30 = vector.shape_cast %get3A_29 : vector<1x400x64xbf16> to vector<400x64xbf16>
    %get3A_31 = arith.constant 1 : index
    %get3A_32 = arith.constant 0 : index
    %get3A_33 = arith.constant 0 : index
    %get3A_34 = vector.load %arg2[%get3A_31, %get3A_32, %get3A_33] : memref<2x10240x64xbf16, #tpu.memory_space<vmem>>, vector<1x10240x64xbf16>
    %get3A_35 = vector.shape_cast %get3A_34 : vector<1x10240x64xbf16> to vector<10240x64xbf16>
    %dot_general3A_36 = arith.constant dense<0.000000e+00> : vector<400x10240xf32>
    %dot_general3A_37 = tpu.matmul %get3A_30, %get3A_35, %dot_general3A_36 {dimension_numbers = #tpu.dot_dimension_numbers<[1], [1], [0], [0], [0, 0, 1, 0], [], []>, transpose_lhs_hint = false} : vector<400x64xbf16>, vector<10240x64xbf16>, vector<400x10240xf32> -> vector<400x10240xf32>
    %exp23A_38 = math.exp2 %dot_general3A_37 : vector<400x10240xf32>
    %reduce_sum3A_39 = arith.constant dense<0.000000e+00> : vector<400xf32>
    %reduce_sum3A_40 = vector.multi_reduction <add>, %exp23A_38, %reduce_sum3A_39 [1] : vector<400x10240xf32> to vector<400xf32>
    %broadcast_in_dim3A_41 = vector.shape_cast %reduce_sum3A_40 : vector<400xf32> to vector<400x1xf32>
    %slice3A_42 = vector.extract_strided_slice %exp23A_38 {offsets = [0, 9984], sizes = [400, 256], strides = [1, 1]} : vector<400x10240xf32> to vector<400x256xf32>
    %ge3A_43 = arith.constant 16 : i32
    %ge3A_44 = vector.broadcast %ge3A_43 : i32 to vector<400x256xi32>
    %ge3A_45 = arith.cmpi sge, %iota3A, %ge3A_44 : vector<400x256xi32>
    %jit3A_46 = arith.constant 0.000000e+00 : f32
    %broadcast_in_dim3A_47 = vector.broadcast %jit3A_46 : f32 to vector<400x256xf32>
    %select_n3A_48 = arith.select %ge3A_45, %slice3A_42, %broadcast_in_dim3A_47 : vector<400x256xi1>, vector<400x256xf32>
    %reduce_sum3A_49 = arith.constant dense<0.000000e+00> : vector<400xf32>
    %reduce_sum3A_50 = vector.multi_reduction <add>, %select_n3A_48, %reduce_sum3A_49 [1] : vector<400x256xf32> to vector<400xf32>
    %broadcast_in_dim3A_51 = vector.shape_cast %reduce_sum3A_50 : vector<400xf32> to vector<400x1xf32>
    %convert_element_type3A_52 = arith.truncf %exp23A_38 : vector<400x10240xf32> to vector<400x10240xbf16>
    %get3A_53 = arith.constant 1 : index
    %get3A_54 = arith.constant 0 : index
    %get3A_55 = arith.constant 0 : index
    %get3A_56 = vector.load %arg3[%get3A_53, %get3A_54, %get3A_55] : memref<2x10240x64xbf16, #tpu.memory_space<vmem>>, vector<1x10240x64xbf16>
    %get3A_57 = vector.shape_cast %get3A_56 : vector<1x10240x64xbf16> to vector<10240x64xbf16>
    %dot_general3A_58 = arith.constant dense<0.000000e+00> : vector<400x64xf32>
    %dot_general3A_59 = tpu.matmul %convert_element_type3A_52, %get3A_57, %dot_general3A_58 {dimension_numbers = #tpu.dot_dimension_numbers<[1], [0], [0], [1], [0, 0, 1, 1], [], []>, transpose_lhs_hint = false} : vector<400x10240xbf16>, vector<10240x64xbf16>, vector<400x64xf32> -> vector<400x64xf32>
    %sub3A_60 = arith.subf %broadcast_in_dim3A_41, %broadcast_in_dim3A_51 : vector<400x1xf32>
    %div3A_61 = vector.broadcast %sub3A_60 : vector<400x1xf32> to vector<400x64xf32>
    %div3A_62 = arith.divf %dot_general3A_59, %div3A_61 : vector<400x64xf32>
    %convert_element_type3A_63 = arith.truncf %div3A_62 : vector<400x64xf32> to vector<400x64xbf16>
    %concatenate3A = tpu.concatenate %convert_element_type3A_25, %convert_element_type3A_63 in 1 : vector<400x64xbf16>, vector<400x64xbf16> -> vector<400x128xbf16>
    %get3A_64 = arith.constant 0 : index
    %get3A_65 = arith.constant 0 : index
    %get3A_66 = vector.load %arg4[%get3A_64, %get3A_65] : memref<400x128xf32, #tpu.memory_space<vmem>>, vector<400x128xf32>
    %get3A_67 = arith.constant 0 : index
    %get3A_68 = arith.constant 0 : index
    %get3A_69 = vector.load %arg5[%get3A_67, %get3A_68] : memref<128x128xf32, #tpu.memory_space<vmem>>, vector<128x128xf32>
    %convert_element_type3A_70 = arith.truncf %get3A_69 : vector<128x128xf32> to vector<128x128xbf16>
    %dot_general3A_71 = arith.constant dense<0.000000e+00> : vector<400x128xf32>
    %dot_general3A_72 = tpu.matmul %concatenate3A, %convert_element_type3A_70, %dot_general3A_71 {dimension_numbers = #tpu.dot_dimension_numbers<[1], [1], [0], [0], [0, 0, 1, 0], [], []>, transpose_lhs_hint = false} : vector<400x128xbf16>, vector<128x128xbf16>, vector<400x128xf32> -> vector<400x128xf32>
    %add3A = arith.addf %get3A_66, %dot_general3A_72 : vector<400x128xf32>
    %get3A_73 = arith.constant 0 : index
    %get3A_74 = vector.load %arg6[%get3A_73] : memref<128xf32, #tpu.memory_space<vmem>>, vector<128xf32>
    %broadcast_in_dim3A_75 = vector.shape_cast %get3A_74 : vector<128xf32> to vector<1x128xf32>
    %add3A_76 = vector.broadcast %broadcast_in_dim3A_75 : vector<1x128xf32> to vector<400x128xf32>
    %add3A_77 = arith.addf %add3A, %add3A_76 : vector<400x128xf32>
    %get3A_78 = arith.constant 0 : index
    %get3A_79 = vector.load %arg7[%get3A_78] : memref<128xf32, #tpu.memory_space<vmem>>, vector<128xf32>
    %get3A_80 = arith.constant 0 : index
    %get3A_81 = vector.load %arg8[%get3A_80] : memref<128xf32, #tpu.memory_space<vmem>>, vector<128xf32>
    %reduce_sum3A_82 = arith.constant dense<0.000000e+00> : vector<400xf32>
    %reduce_sum3A_83 = vector.multi_reduction <add>, %add3A_77, %reduce_sum3A_82 [1] : vector<400x128xf32> to vector<400xf32>
    %broadcast_in_dim3A_84 = vector.shape_cast %reduce_sum3A_83 : vector<400xf32> to vector<400x1xf32>
    %div3A_85 = arith.constant 1.280000e+02 : f32
    %div3A_86 = vector.broadcast %div3A_85 : f32 to vector<400x1xf32>
    %div3A_87 = arith.divf %broadcast_in_dim3A_84, %div3A_86 : vector<400x1xf32>
    %sub3A_88 = vector.broadcast %div3A_87 : vector<400x1xf32> to vector<400x128xf32>
    %sub3A_89 = arith.subf %add3A_77, %sub3A_88 : vector<400x128xf32>
    %integer_pow3A = arith.mulf %sub3A_89, %sub3A_89 : vector<400x128xf32>
    %reduce_sum3A_90 = arith.constant dense<0.000000e+00> : vector<400xf32>
    %reduce_sum3A_91 = vector.multi_reduction <add>, %integer_pow3A, %reduce_sum3A_90 [1] : vector<400x128xf32> to vector<400xf32>
    %broadcast_in_dim3A_92 = vector.shape_cast %reduce_sum3A_91 : vector<400xf32> to vector<400x1xf32>
    %div3A_93 = arith.constant 1.280000e+02 : f32
    %div3A_94 = vector.broadcast %div3A_93 : f32 to vector<400x1xf32>
    %div3A_95 = arith.divf %broadcast_in_dim3A_92, %div3A_94 : vector<400x1xf32>
    %sub3A_96 = vector.broadcast %div3A_87 : vector<400x1xf32> to vector<400x128xf32>
    %sub3A_97 = arith.subf %add3A_77, %sub3A_96 : vector<400x128xf32>
    %add3A_98 = arith.constant 9.99999974E-6 : f32
    %add3A_99 = vector.broadcast %add3A_98 : f32 to vector<400x1xf32>
    %add3A_100 = arith.addf %div3A_95, %add3A_99 : vector<400x1xf32>
    %sqrt3A = math.sqrt %add3A_100 : vector<400x1xf32>
    %div3A_101 = vector.broadcast %sqrt3A : vector<400x1xf32> to vector<400x128xf32>
    %div3A_102 = arith.divf %sub3A_97, %div3A_101 : vector<400x128xf32>
    %broadcast_in_dim3A_103 = vector.shape_cast %get3A_79 : vector<128xf32> to vector<1x128xf32>
    %mul3A = vector.broadcast %broadcast_in_dim3A_103 : vector<1x128xf32> to vector<400x128xf32>
    %mul3A_104 = arith.mulf %div3A_102, %mul3A : vector<400x128xf32>
    %broadcast_in_dim3A_105 = vector.shape_cast %get3A_81 : vector<128xf32> to vector<1x128xf32>
    %add3A_106 = vector.broadcast %broadcast_in_dim3A_105 : vector<1x128xf32> to vector<400x128xf32>
    %add3A_107 = arith.addf %mul3A_104, %add3A_106 : vector<400x128xf32>
    %convert_element_type3A_108 = arith.truncf %add3A_107 : vector<400x128xf32> to vector<400x128xbf16>
    %get3A_109 = arith.constant 0 : index
    %get3A_110 = arith.constant 0 : index
    %get3A_111 = vector.load %arg9[%get3A_109, %get3A_110] : memref<256x128xf32, #tpu.memory_space<vmem>>, vector<256x128xf32>
    %convert_element_type3A_112 = arith.truncf %get3A_111 : vector<256x128xf32> to vector<256x128xbf16>
    %dot_general3A_113 = arith.constant dense<0.000000e+00> : vector<400x256xf32>
    %dot_general3A_114 = tpu.matmul %convert_element_type3A_108, %convert_element_type3A_112, %dot_general3A_113 {dimension_numbers = #tpu.dot_dimension_numbers<[1], [1], [0], [0], [0, 0, 1, 0], [], []>, transpose_lhs_hint = false} : vector<400x128xbf16>, vector<256x128xbf16>, vector<400x256xf32> -> vector<400x256xf32>
    %get3A_115 = arith.constant 0 : index
    %get3A_116 = vector.load %arg10[%get3A_115] : memref<256xf32, #tpu.memory_space<vmem>>, vector<256xf32>
    %broadcast_in_dim3A_117 = vector.shape_cast %get3A_116 : vector<256xf32> to vector<1x256xf32>
    %add3A_118 = vector.broadcast %broadcast_in_dim3A_117 : vector<1x256xf32> to vector<400x256xf32>
    %add3A_119 = arith.addf %dot_general3A_114, %add3A_118 : vector<400x256xf32>
    %max3A = arith.constant 0.000000e+00 : f32
    %max3A_120 = vector.broadcast %max3A : f32 to vector<400x256xf32>
    %max3A_121 = arith.maximumf %add3A_119, %max3A_120 : vector<400x256xf32>
    %convert_element_type3A_122 = arith.truncf %max3A_121 : vector<400x256xf32> to vector<400x256xbf16>
    %get3A_123 = arith.constant 0 : index
    %get3A_124 = arith.constant 0 : index
    %get3A_125 = vector.load %arg11[%get3A_123, %get3A_124] : memref<128x256xf32, #tpu.memory_space<vmem>>, vector<128x256xf32>
    %convert_element_type3A_126 = arith.truncf %get3A_125 : vector<128x256xf32> to vector<128x256xbf16>
    %dot_general3A_127 = arith.constant dense<0.000000e+00> : vector<400x128xf32>
    %dot_general3A_128 = tpu.matmul %convert_element_type3A_122, %convert_element_type3A_126, %dot_general3A_127 {dimension_numbers = #tpu.dot_dimension_numbers<[1], [1], [0], [0], [0, 0, 1, 0], [], []>, transpose_lhs_hint = false} : vector<400x256xbf16>, vector<128x256xbf16>, vector<400x128xf32> -> vector<400x128xf32>
    %add3A_129 = arith.addf %add3A_77, %dot_general3A_128 : vector<400x128xf32>
    %get3A_130 = arith.constant 0 : index
    %get3A_131 = vector.load %arg12[%get3A_130] : memref<128xf32, #tpu.memory_space<vmem>>, vector<128xf32>
    %broadcast_in_dim3A_132 = vector.shape_cast %get3A_131 : vector<128xf32> to vector<1x128xf32>
    %add3A_133 = vector.broadcast %broadcast_in_dim3A_132 : vector<1x128xf32> to vector<400x128xf32>
    %add3A_134 = arith.addf %add3A_129, %add3A_133 : vector<400x128xf32>
    %swap3A = arith.constant 0 : index
    %swap3A_135 = arith.constant 0 : index
    %swap3A_136 = vector.load %arg13[%swap3A, %swap3A_135] : memref<400x128xf32, #tpu.memory_space<vmem>>, vector<400x128xf32>
    tpu.vector_store %arg13[%swap3A, %swap3A_135], %add3A_134 {strides = array<i32>} : memref<400x128xf32, #tpu.memory_space<vmem>>, vector<400x128xf32>,
    return
  }
  func.func @transform_0(%arg0: i32) -> (i32, i32, i32) {
    %c0_i32 = arith.constant 0 : i32
    %c0_i32_0 = arith.constant 0 : i32
    %c0_i32_1 = arith.constant 0 : i32
    return %c0_i32, %arg0, %c0_i32_0 : i32, i32, i32
  }
  func.func @transform_1(%arg0: i32) -> (i32, i32, i32) {
    %c0_i32 = arith.constant 0 : i32
    %c0_i32_0 = arith.constant 0 : i32
    %c0_i32_1 = arith.constant 0 : i32
    %c0_i32_2 = arith.constant 0 : i32
    return %c0_i32, %c0_i32_0, %c0_i32_1 : i32, i32, i32
  }
  func.func @transform_2(%arg0: i32) -> (i32, i32, i32) {
    %c0_i32 = arith.constant 0 : i32
    %c0_i32_0 = arith.constant 0 : i32
    %c0_i32_1 = arith.constant 0 : i32
    %c0_i32_2 = arith.constant 0 : i32
    return %c0_i32, %c0_i32_0, %c0_i32_1 : i32, i32, i32
  }
  func.func @transform_3(%arg0: i32) -> (i32, i32) {
    %c0_i32 = arith.constant 0 : i32
    %c0_i32_0 = arith.constant 0 : i32
    return %arg0, %c0_i32 : i32, i32
  }
  func.func @transform_4(%arg0: i32) -> (i32, i32) {
    %c0_i32 = arith.constant 0 : i32
    %c0_i32_0 = arith.constant 0 : i32
    %c0_i32_1 = arith.constant 0 : i32
    return %c0_i32, %c0_i32_0 : i32, i32
  }
  func.func @transform_5(%arg0: i32) -> i32 {
    %c0_i32 = arith.constant 0 : i32
    %c0_i32_0 = arith.constant 0 : i32
    return %c0_i32 : i32
  }
  func.func @transform_6(%arg0: i32) -> i32 {
    %c0_i32 = arith.constant 0 : i32
    %c0_i32_0 = arith.constant 0 : i32
    return %c0_i32 : i32
  }
  func.func @transform_7(%arg0: i32) -> i32 {
    %c0_i32 = arith.constant 0 : i32
    %c0_i32_0 = arith.constant 0 : i32
    return %c0_i32 : i32
  }
  func.func @transform_8(%arg0: i32) -> (i32, i32) {
    %c0_i32 = arith.constant 0 : i32
    %c0_i32_0 = arith.constant 0 : i32
    %c0_i32_1 = arith.constant 0 : i32
    return %c0_i32, %c0_i32_0 : i32, i32
  }
  func.func @transform_9(%arg0: i32) -> i32 {
    %c0_i32 = arith.constant 0 : i32
    %c0_i32_0 = arith.constant 0 : i32
    return %c0_i32 : i32
  }
  func.func @transform_10(%arg0: i32) -> (i32, i32) {
    %c0_i32 = arith.constant 0 : i32
    %c0_i32_0 = arith.constant 0 : i32
    %c0_i32_1 = arith.constant 0 : i32
    return %c0_i32, %c0_i32_0 : i32, i32
  }
  func.func @transform_11(%arg0: i32) -> i32 {
    %c0_i32 = arith.constant 0 : i32
    %c0_i32_0 = arith.constant 0 : i32
    return %c0_i32 : i32
  }
  func.func @transform_12(%arg0: i32) -> (i32, i32) {
    %c0_i32 = arith.constant 0 : i32
    %c0_i32_0 = arith.constant 0 : i32
    return %arg0, %c0_i32 : i32, i32
  }
}

</mosaic_0001>

<sc_bundles>
// kernel: kernel.10.cloned.1.call-start
scs
__scs_entry_jumppad:
0x0: {  	(pc) =	sbr.rel $0x88, $3  }
0x1: {  	(tag) =	ssettag $0x0;
	lr =	simm.s32 $0x1  }
0x2: {  	[smem:$0x3F8B] =	sst lr;
	_ =	strace $0xD0000000  }
0x3: {  	_ = 	snop  }
0x4: {  	_ = 	snop  }
0x5: {  	_ = 	snop  }
0x6: {  	_ = 	snop  }
0x7: {  	_ = 	snop  }
__scs_overlays_trampoline_lowered:
0x8: {  	[smem:$0x3F9A] =	sst s0  }
0x9: {  	[smem:$0x3F9B] =	sst s1  }
0xa: {  	[smem:$0x3F9C] =	sst s2  }
0xb: {  	[smem:$0x3F9D] =	sst s3  }
0xc: {  	[smem:$0x3F9E] =	sst s4  }
0xd: {  	[smem:$0x3F9F] =	sst s5  }
0xe: {  	[smem:$0x3FA0] =	sst s6  }
0xf: {  	[smem:$0x3FA1] =	sst s7  }
0x10: {  	[smem:$0x3FA2] =	sst s8  }
0x11: {  	[smem:$0x3FA3] =	sst s9;
	s0 =	simm.s32 @!p0 $0x0  }
0x12: {  	s1 =	sld [smem:$0x3F89];
	s0 =	simm.s32 @p0 $0x1  }
0x13: {  	[smem:$0x3FA4] =	sst s0;
	s0 =	simm.s32 @!p1 $0x0  }
0x14: {  	s2 =	sld [smem:$0x3F88];
	s0 =	simm.s32 @p1 $0x1  }
0x15: {  	[smem:$0x3FA5] =	sst s0;
	s0 =	simm.s32 @!p2 $0x0  }
0x16: {  	s3 =	sld [smem:$0x3FDB];
	s0 =	simm.s32 @p2 $0x1  }
0x17: {  	s4 =	simm.s32 $0x1BF5;
	[smem:$0x3FA7] =	sst s0  }
0x18: {  	s0 =	sld [smem:$0x3F8A];
	_ =	swait.ge [sflag:s4], $0x0  }
0x19: {  	s7 =	sld [smem:$0x3F8B]  }
0x1a: {  	s8 =	sadd.s32 $0xFFFFE003, lr  }
0x1b: {  	s9 =	sadd.s32 $0xFFFFFEF7, lr;
	s5 =	simm.s32 $0xFFFFFFFF;
	p2 =	slt.u32 s8, $0xFFFFF086  }
0x1c: {  	p1 =	slt.u32 s9, $0xF7A;
	s5 =	simm.s32 @!p2 $0x0  }
0x1d: {  	s5 =	simm.s32 @p1 $0x1;
	p0 =	seq.s32 s7, s2  }
0x1e: {  	s7 =	smul.u32 @!p0 $0xF7A, s2;
	p2 =	seq.s32 @!p0 s5, $0x0  }
0x1f: {  	s9 =	smul.u32 $0xF7A, s1;
	s8 =	simm.s32 @!p0 $0x1BF5;
	p2 =	por !p2, p0  }
0x20: {  	[sflag:s8] =	ssyncset.s32 @!p0 $0xFFFFF086;
	s6 =	sadd.s32 @!p0 s3, s7;
	s7 =	simm.s32 @!p0 $0x108  }
0x21: {  	s3 =	sadd.s32 s3, s9;
	s6 =	sadd.s32 @!p0 $0x88, s6;
	s7 =	simm.s32 @p2 $0x1082  }
0x22: {  	[simem:s7], [sflag:s8] =	dma.local @!p0 [hbm:s6], $0xF7A  }
0x23: {  	s9 =	sor.u32 $0xD0000000, s2;
	s6 =	simm.s32 $0x108;
	_ =	swait.ge @!p0 [sflag:s8], $0x0  }
0x24: {  	s3 =	sadd.s32 $0x88, s3;
	s6 =	simm.s32 @!p1 $0x1082;
	[sflag:s4] =	ssyncset.s32 $0xFFFFF086  }
0x25: {  	[simem:s6], [sflag:s4] =	dma.local [hbm:s3], $0xF7A  }
0x26: {  	[smem:$0x3F8B] =	sst s1;
	(tag) =	ssettag s2;
	_ =	strace s9  }
0x27: {  	s1 =	sld [smem:$0x3F9B]  }
0x28: {  	s2 =	sld [smem:$0x3F9C]  }
0x29: {  	s4 =	sld [smem:$0x3F9E]  }
0x2a: {  	p0 =	seq.s32 s5, $0x0;
	s5 =	sld [smem:$0x3F9F]  }
0x2b: {  	s6 =	sld [smem:$0x3FA0]  }
0x2c: {  	s7 =	sld [smem:$0x3FA1]  }
0x2d: {  	s3 =	simm.s32 $0x108;
	s8 =	sld [smem:$0x3FA2]  }
0x2e: {  	s3 =	simm.s32 @!p0 $0x1082;
	s9 =	sld [smem:$0x3FA3]  }
0x2f: {  	lr =	sadd.s32 s0, s3;
	s0 =	sld [smem:$0x3F9A]  }
0x30: {  	s3 =	sld [smem:$0x3F9D]  }
0x31: {  	[smem:$0x3FA6] =	sst s10  }
0x32: {  	s10 =	sld [smem:$0x3FA4];
	_ =	sdelay $0x3  }
0x33: {  	p0 =	seq.s32 s10, $0x1;
	s10 =	sld [smem:$0x3FA6];
	_ =	sdelay $0x3  }
0x34: {  	[smem:$0x3FA6] =	sst s10  }
0x35: {  	s10 =	sld [smem:$0x3FA5];
	_ =	sdelay $0x3  }
0x36: {  	p1 =	seq.s32 s10, $0x1;
	s10 =	sld [smem:$0x3FA6];
	_ =	sdelay $0x3  }
0x37: {  	[smem:$0x3FA6] =	sst s10  }
0x38: {  	s10 =	sld [smem:$0x3FA7]  }
0x39: {  	_ = 	snop;
	(pc) =	sbr.ind lr, $3  }
0x3a: {  	_ = 	snop  }
0x3b: {  	_ = 	snop  }
0x3c: {  	p2 =	seq.s32 s10, $0x1;
	s10 =	sld [smem:$0x3FA6]  }
0x3d: {  	_ =	shalt  }
0x3e: {  	_ =	shalt  }
0x3f: {  	_ =	shalt  }
0x40: {  	_ =	shalt  }
0x41: {  	_ =	shalt  }
0x42: {  	_ =	shalt  }
0x43: {  	_ =	shalt  }
0x44: {  	_ =	shalt  }
0x45: {  	_ =	shalt  }
0x46: {  	_ =	shalt  }
0x47: {  	_ =	shalt  }
0x48: {  	_ =	shalt  }
0x49: {  	_ =	shalt  }
0x4a: {  	_ =	shalt  }
0x4b: {  	_ =	shalt  }
0x4c: {  	_ =	shalt  }
0x4d: {  	_ =	shalt  }
0x4e: {  	_ =	shalt  }
0x4f: {  	_ =	shalt  }
0x50: {  	_ =	shalt  }
0x51: {  	_ =	shalt  }
0x52: {  	_ =	shalt  }
0x53: {  	_ =	shalt  }
0x54: {  	_ =	shalt  }
0x55: {  	_ =	shalt  }
0x56: {  	_ =	shalt  }
0x57: {  	_ =	shalt  }
0x58: {  	_ =	shalt  }
0x59: {  	_ =	shalt  }
0x5a: {  	_ =	shalt  }
0x5b: {  	_ =	shalt  }
0x5c: {  	_ =	shalt  }
0x5d: {  	_ =	shalt  }
0x5e: {  	_ =	shalt  }
0x5f: {  	_ =	shalt  }
0x60: {  	_ =	shalt  }
0x61: {  	_ =	shalt  }
0x62: {  	_ =	shalt  }
0x63: {  	_ =	shalt  }
0x64: {  	_ =	shalt  }
0x65: {  	_ =	shalt  }
0x66: {  	_ =	shalt  }
0x67: {  	_ =	shalt  }
0x68: {  	_ =	shalt  }
0x69: {  	_ =	shalt  }
0x6a: {  	_ =	shalt  }
0x6b: {  	_ =	shalt  }
0x6c: {  	_ =	shalt  }
0x6d: {  	_ =	shalt  }
0x6e: {  	_ =	shalt  }
0x6f: {  	_ =	shalt  }
0x70: {  	_ =	shalt  }
0x71: {  	_ =	shalt  }
0x72: {  	_ =	shalt  }
0x73: {  	_ =	shalt  }
0x74: {  	_ =	shalt  }
0x75: {  	_ =	shalt  }
0x76: {  	_ =	shalt  }
0x77: {  	_ =	shalt  }
0x78: {  	_ =	shalt  }
0x79: {  	_ =	shalt  }
0x7a: {  	_ =	shalt  }
0x7b: {  	_ =	shalt  }
0x7c: {  	_ =	shalt  }
0x7d: {  	_ =	shalt  }
0x7e: {  	_ =	shalt  }
0x7f: {  	_ =	shalt  }
0x80: {  	_ =	shalt  }
0x81: {  	_ =	shalt  }
0x82: {  	_ =	shalt  }
0x83: {  	_ =	shalt  }
0x84: {  	_ =	shalt  }
0x85: {  	_ =	shalt  }
0x86: {  	_ =	shalt  }
0x87: {  	_ =	shalt  }
.Lfunc_end0:
.L_simem_size_0:
called_computation.1_lowered:
.L_overlay_start_0:
0x88: {  	s2 =	sld [smem:$0x3FD9]  }
0x89: {  	s3 =	sld [smem:$0x3FFE];
	_ =	sdelay $0x1  }
0x8a: {  	s1 =	srdreg.scid  }
0x8b: {  	s0 =	sand.u32 $0x1, s1  }
0x8c: {  	s17 =	sshll.u32 s0, $0xA;
	s2 =	sadd.s32 s3, s2  }
0x8d: {  	s2 =	sadd.s32 s2, s17  }
0x8e: {  	[smem:$0x3FB2] =	sst s2  }
0x8f: {  	_ = 	snop  }
0x90: {  	s2 =	sld [smem:$0x3FD0];
	(tm) =	ssettm $0x1  }
0x91: {  	s18 =	sld [smem:$0x3FFB];
	_ =	sdelay $0x3  }
0x92: {  	_ =	strace s18  }
0x93: {  	s3 =	sld [smem:$0x3FFC];
	_ =	sdelay $0x3  }
0x94: {  	_ =	strace s3  }
0x95: {  	s3 =	sld [smem:$0x3FFD];
	_ =	sdelay $0x3  }
0x96: {  	_ =	strace s3  }
0x97: {  	_ =	strace $0x8FFFFFFF  }
0x98: {  	s19 =	sld [smem:$0x3FDB];
	_ =	sdelay $0x1  }
0x99: {  	s4 =	simm.s32 $_scs_section_size  }
0x9a: {  	s5 =	simm.s32 $_size__tile_overlayer_lowered;
	s6 =	simm.s32 $_tile_overlayer_lowered  }
0x9b: {  	s22 =	simm.s32 $0x1BFF;
	s21 =	sshll.u32 s6, $0x1;
	s3 =	sadd.s32 s4, s19  }
0x9c: {  	s7 =	simm.s32 $0x0;
	s20 =	sshll.u32 s5, $0x1;
	s5 =	sadd.s32 s21, s3  }
0x9d: {  	[timem:s7], [sflag:s22] =	dma.local [hbm:s5], s20  }
0x9e: {  	_ =	swait.ge [sflag:s22], s20  }
0x9f: {  	s4 =	ssub.s32 $0x0, s20;
	[sflag:s22] =	ssyncset.done $0x0  }
0xa0: {  	[sflag:s22] =	ssyncadd.s32 s4;
	_ =	sdelay $0x1  }
0xa1: {  	s23 =	simm.s32 $0x1B8B  }
0xa2: {  	_ =	swait.ge [sflag:s23], $0x1  }
0xa3: {  	[sflag:s23] =	ssyncset.done $0x0  }
0xa4: {  	s25 =	simm.s32 $0x1B8E;
	s24 =	sld [smem:$0x3FFE];
	[sflag:s23] =	ssyncadd.s32 $0xFFFFFFFF  }
0xa5: {  	s26 =	simm.s32 $execute0_lowered;
	[smem:$0x3FD2] =	sst s25  }
0xa6: {  	s5 =	sshll.u32 s26, $0x1;
	_ =	strace $0x80000049;
	[dreg:$0x1] =	wrdreg $0xFFFFFFFF  }
0xa7: {  	s28 =	simm.s32 $_size_execute0_lowered;
	s3 =	sadd.s32 s3, s5;
	[dreg:$0x0] =	wrdreg $0x0  }
0xa8: {  	s5 =	sshll.u32 s28, $0x1;
	[dreg:$0x2] =	wrdreg s3  }
0xa9: {  	[dreg:$0x3] =	wrdreg s5  }
0xaa: {  	[dreg:$0x4] =	wrdreg $0xC0  }
0xab: {  	_ =	task [dreg:s7], $0x5FFFF  }
0xac: {  	[dreg:$0x1] =	wrdreg $0xFFFFFFFF  }
0xad: {  	[dreg:$0x0] =	wrdreg $0x60  }
0xae: {  	[dreg:$0x2] =	wrdreg s2  }
0xaf: {  	[dreg:$0x3] =	wrdreg s24  }
0xb0: {  	[dreg:$0x4] =	wrdreg $0xA8000  }
0xb1: {  	[dreg:$0x5] =	wrdreg $0x9  }
0xb2: {  	_ =	task.clear_ibuf [dreg:s7], $0x6FFFF;
	_ =	strace $0x90000049  }
0xb3: {  	s29 =	simm.s32 $0x9;
	_ =	strace $0x8000004B  }
0xb4: {  	_ =	swait.ge [sflag:s29], $0x1  }
0xb5: {  	[sflag:s29] =	ssyncadd.s32 $0xFFFFFFFF  }
0xb6: {  	_ =	strace $0x9000004B  }
0xb7: {  	_ =	sfence  }
0xb8: {  	s30 =	sld [smem:$0x0];
	_ =	sdelay $0x2  }
0xb9: {  	s31 =	sshll.u32 s1, $0xD;
	s1 =	sshrl.u32 s1, $0x2  }
0xba: {  	s3 =	sand.u32 $0x4000, s31;
	s1 =	sadd.s32 s1, s30  }
0xbb: {  	s0 =	sor.u32 s3, s0;
	s1 =	sshll.u32 s1, $0x11  }
0xbc: {  	s0 =	sor.u32 s1, s0  }
0xbd: {  	s0 =	sadd.s32 $0x8F2B, s0  }
0xbe: {  	[sflag:s0] =	ssyncadd.remote.s32 $0x1  }
0xbf: {  	_ =	sfence.sel $0xFFFF  }
0xc0: {  	[dreg:$0x0] =	wrdreg $0xFFFFFFFF;
	(pc) =	sbr.abs _section_cstart, $3  }
0xc1: {  	[dreg:$0x1] =	wrdreg $0xFFFFFFFF  }
0xc2: {  	_ =	task.clear_ibuf [dreg:s7], $0x2FFFF;
	_ =	strace $0x9FFFFFFF  }
0xc3: {  	(tm) =	ssettm $0x7FFFFFFF  }
tec
execute0_lowered:
.L_overlay_start_1:
0x0: {  	(tag) =	ssettag $0x1  }
0x1: {  	s0 =	rddreg [dreg:$0x0]  }
0x2: {  	s1 =	rddreg [dreg:$0x1];
	s3 =	srdreg.scid  }
0x3: {  	s2 =	rddreg [dreg:$0x2];
	s8 =	stileid.u32;
	s21 =	simm.s32 $0x2800  }
0x4: {  	s22 =	simm.s32 $0x3;
	s28 =	simm.s32 $0x2;
	s29 =	simm.s32 $0x1380  }
0x5: {  	s30 =	simm.s32 $0x2700;
	s31 =	simm.s32 $0x2780;
	s6 =	smul.u32 $0x14000, s8  }
0x6: {  	s5 =	sand.u32 $0x1, s3;
	s3 =	simm.s32 $0x0;
	s24 =	smul.u32 $0x50000, s8  }
0x7: {  	s4 =	smul.u32 $0x140000, s5;
	[smem:$0x7FF] =	sst s3;
	s7 =	sshll.u32 s5, $0x4  }
0x8: {  	s5 =	ssub.s32 $0x2, s5;
	s23 =	sor.u32 s8, s7;
	_ =	strace $0x8000004A  }
0x9: {  	s26 =	sshrl.u32 s5, $0x1;
	s7 =	sshrl.u32 s24, $0x2;
	s24 =	simm.s32 $0x7D  }
0xa: {  	s4 =	sadd.s32 s6, s4;
	s6 =	smul.u32 $0x2800, s23;
	s11 =	ssub.s32 s5, s26  }
0xb: {  	s5 =	sadd.s32 s7, s2;
	s23 =	simm.s32 $0x1400;
	s26 =	simm.s32 $0x6800  }
0xc: {  	s25 =	sshrl.u32 s4, $0x3;
	s4 =	sadd.s32 $0x40800, s1;
	s11 =	smax.u32 s11, $0x1  }
0xd: {  	s12 =	sadd.s32 $0x2000, s5;
	s13 =	sadd.s32 $0x4000, s5;
	s14 =	sadd.s32 $0x6000, s5  }
0xe: {  	s15 =	sadd.s32 $0x8000, s5;
	s16 =	sadd.s32 $0xA000, s5;
	s17 =	sadd.s32 $0xC000, s5  }
0xf: {  	s18 =	sadd.s32 $0xE000, s5;
	s19 =	sadd.s32 $0x10000, s5;
	s6 =	sshrl.u32 s6, $0x3  }
0x10: {  	s20 =	sadd.s32 $0x12000, s5;
	s1 =	sadd.s32 s25, s1;
	s6 =	sadd.s32 s0, s6  }
0x11: {  	s25 =	simm.s32 $0x1;
	s10 =	sadd.s32 $0x68800, s1;
	s0 =	sadd.s32 $0xA000, s6  }
0x12: {  	v0 =	vimm.f32 $0.0e+00;
	s8 =	sadd.s32 $0x280, s6;
	s9 =	sadd.s32 $0xA280, s6;
	[dreg:$0x4] =	wrdreg s0  }
.LBB2_1:
0x13: {  	s0 =	simm.s32 $0x0;
	s1 =	simm.s32 $0x200  }
.LBB2_2:
0x14: {  	p0 =	sne.s32 s1, $0x7E00;
	[tilespmem:s0+$0x2870] =	vst v0  }
0x15: {  	[tilespmem:s0+$0x2800] =	vst v0  }
0x16: {  	[tilespmem:s0+$0x2810] =	vst v0  }
.Ltmp0:
0x17: {  	[tilespmem:s0+$0x2820] =	vst v0;
	(pc) =	sbr.rel @p0 .LBB2_2-.Ltmp0, $4  }
0x18: {  	[tilespmem:s0+$0x2830] =	vst v0  }
0x19: {  	[tilespmem:s0+$0x2840] =	vst v0  }
0x1a: {  	[tilespmem:s0+$0x2850] =	vst v0  }
0x1b: {  	[tilespmem:s0+$0x2860] =	vst v0;
	s0 =	sshra.s32 s1, $0x2;
	s1 =	sadd.s32 $0x200, s1  }
0x1c: {  	[tilespmem:s0+$0x2870] =	vst v0  }
0x1d: {  	[tilespmem:s0+$0x2800] =	vst v0  }
0x1e: {  	[tilespmem:s0+$0x2810] =	vst v0  }
0x1f: {  	[tilespmem:s0+$0x2820] =	vst v0  }
0x20: {  	[tilespmem:s0+$0x2830] =	vst v0  }
0x21: {  	[tilespmem:s0+$0x2840] =	vst v0  }
0x22: {  	[tilespmem:s0+$0x2850] =	vst v0  }
0x23: {  	[tilespmem:s0+$0x2860] =	vst v0  }
0x24: {  	[spmem:s5] =	stream.linear.scatter [tilespmem:s21], [sflag:$0x3], $0x2000, $0x38;
	[tilespmem:$0x1E800] =	vst v63  }
0x25: {  	_ =	swait.ge [sflag:s22], $0x2000  }
0x26: {  	[sflag:s22] =	ssyncset.done $0x0  }
0x27: {  	[sflag:s22] =	ssyncadd.s32 $0xFFFFE000  }
0x28: {  	[spmem:s12] =	stream.linear.scatter [tilespmem:s21], [sflag:$0x3], $0x2000, $0x38;
	[tilespmem:$0x1E800] =	vst v63  }
0x29: {  	_ =	swait.ge [sflag:s22], $0x2000  }
0x2a: {  	[sflag:s22] =	ssyncset.done $0x0  }
0x2b: {  	[sflag:s22] =	ssyncadd.s32 $0xFFFFE000  }
0x2c: {  	[spmem:s13] =	stream.linear.scatter [tilespmem:s21], [sflag:$0x3], $0x2000, $0x38;
	[tilespmem:$0x1E800] =	vst v63  }
0x2d: {  	_ =	swait.ge [sflag:s22], $0x2000  }
0x2e: {  	[sflag:s22] =	ssyncset.done $0x0  }
0x2f: {  	[sflag:s22] =	ssyncadd.s32 $0xFFFFE000  }
0x30: {  	[spmem:s14] =	stream.linear.scatter [tilespmem:s21], [sflag:$0x3], $0x2000, $0x38;
	[tilespmem:$0x1E800] =	vst v63  }
0x31: {  	_ =	swait.ge [sflag:s22], $0x2000  }
0x32: {  	[sflag:s22] =	ssyncset.done $0x0  }
0x33: {  	[sflag:s22] =	ssyncadd.s32 $0xFFFFE000  }
0x34: {  	[spmem:s15] =	stream.linear.scatter [tilespmem:s21], [sflag:$0x3], $0x2000, $0x38;
	[tilespmem:$0x1E800] =	vst v63  }
0x35: {  	_ =	swait.ge [sflag:s22], $0x2000  }
0x36: {  	[sflag:s22] =	ssyncset.done $0x0  }
0x37: {  	[sflag:s22] =	ssyncadd.s32 $0xFFFFE000  }
0x38: {  	[spmem:s16] =	stream.linear.scatter [tilespmem:s21], [sflag:$0x3], $0x2000, $0x38;
	[tilespmem:$0x1E800] =	vst v63  }
0x39: {  	_ =	swait.ge [sflag:s22], $0x2000  }
0x3a: {  	[sflag:s22] =	ssyncset.done $0x0  }
0x3b: {  	[sflag:s22] =	ssyncadd.s32 $0xFFFFE000  }
0x3c: {  	[spmem:s17] =	stream.linear.scatter [tilespmem:s21], [sflag:$0x3], $0x2000, $0x38;
	[tilespmem:$0x1E800] =	vst v63  }
0x3d: {  	_ =	swait.ge [sflag:s22], $0x2000  }
0x3e: {  	[sflag:s22] =	ssyncset.done $0x0  }
0x3f: {  	[sflag:s22] =	ssyncadd.s32 $0xFFFFE000  }
0x40: {  	[spmem:s18] =	stream.linear.scatter [tilespmem:s21], [sflag:$0x3], $0x2000, $0x38;
	[tilespmem:$0x1E800] =	vst v63  }
0x41: {  	_ =	swait.ge [sflag:s22], $0x2000  }
0x42: {  	[sflag:s22] =	ssyncset.done $0x0  }
0x43: {  	[sflag:s22] =	ssyncadd.s32 $0xFFFFE000  }
0x44: {  	[spmem:s19] =	stream.linear.scatter [tilespmem:s21], [sflag:$0x3], $0x2000, $0x38;
	[tilespmem:$0x1E800] =	vst v63  }
0x45: {  	_ =	swait.ge [sflag:s22], $0x2000  }
0x46: {  	[sflag:s22] =	ssyncset.done $0x0  }
0x47: {  	[sflag:s22] =	ssyncadd.s32 $0xFFFFE000  }
0x48: {  	[spmem:s20] =	stream.linear.scatter [tilespmem:s21], [sflag:$0x3], $0x2000, $0x38;
	[tilespmem:$0x1E800] =	vst v63  }
0x49: {  	_ =	swait.ge [sflag:s22], $0x2000  }
0x4a: {  	[sflag:s22] =	ssyncset.done $0x0  }
0x4b: {  	[sflag:s22] =	ssyncadd.s32 $0xFFFFE000  }
0x4c: {  	s7 =	simm.s32 $0x0;
	[bflag:$0x0] =	sbarrier.arrive $0xFFFF  }
0x4d: {  	[tilespmem:s7], [sflag:$0x3] =	stream.linear.gather [hbm4b:s6+s7], $0x1400, $0x38;
	[tilespmem:$0x1E800] =	vst v63  }
0x4e: {  	_ =	swait.ge [sflag:s22], $0x1400  }
0x4f: {  	[sflag:s22] =	ssyncset.done $0x0  }
0x50: {  	s1 =	rddreg [dreg:$0x4];
	[sflag:s22] =	ssyncadd.s32 $0xFFFFEC00  }
0x51: {  	[tilespmem:s23], [sflag:$0x3] =	stream.linear.gather [hbm4b:s1+s7], $0x1400, $0x38;
	[tilespmem:$0x1E800] =	vst v63  }
0x52: {  	_ =	swait.ge [sflag:s22], $0x1400  }
0x53: {  	[sflag:s22] =	ssyncset.done $0x0  }
0x54: {  	[sflag:s22] =	ssyncadd.s32 $0xFFFFEC00  }
0x55: {  	[tilespmem:s21], [sflag:$0x1] =	stream.indirect.gather [hbm4b:s4+s24], $0x80, s7, s24, $0xb8;
	[tilespmem:$0x1E800] =	vst v63  }
0x56: {  	_ =	swait.ge [sflag:s25], $0x3E80  }
0x57: {  	[sflag:s25] =	ssyncset.done $0x0  }
0x58: {  	s1 =	simm.s32 $0x80;
	[sflag:s25] =	ssyncadd.s32 $0xFFFFC180  }
0x59: {  	[tilespmem:s26], [sflag:$0x2] =	stream.indirect.gather [hbm4b:s4+s24], $0x80, s1, s24, $0xb8;
	[tilespmem:$0x1E800] =	vst v63  }
0x5a: {  	s7 =	simm.s32 $0x1400  }
0x5b: {  	[spmem:s2] =	stream.indirect.scatter.add.f32 [tilespmem:s21], [sflag:$0x3], $0x80, s7, s24, $0xb8;
	[tilespmem:$0x1E800] =	vst v63  }
0x5c: {  	_ =	swait.ge [sflag:s22], $0x3E80  }
0x5d: {  	[sflag:s22] =	ssyncset.done $0x0  }
0x5e: {  	[sflag:s22] =	ssyncadd.s32 $0xFFFFC180  }
0x5f: {  	_ =	swait.ge [sflag:s28], $0x3E80  }
0x60: {  	[sflag:s28] =	ssyncset.done $0x0  }
0x61: {  	s1 =	simm.s32 $0x100;
	[sflag:s28] =	ssyncadd.s32 $0xFFFFC180  }
0x62: {  	[tilespmem:s21], [sflag:$0x1] =	stream.indirect.gather [hbm4b:s4+s24], $0x80, s1, s24, $0xb8;
	[tilespmem:$0x1E800] =	vst v63  }
0x63: {  	s7 =	simm.s32 $0x1480  }
0x64: {  	[spmem:s2] =	stream.indirect.scatter.add.f32 [tilespmem:s26], [sflag:$0x3], $0x80, s7, s24, $0xb8;
	[tilespmem:$0x1E800] =	vst v63  }
0x65: {  	_ =	swait.ge [sflag:s22], $0x3E80  }
0x66: {  	s0 =	simm.s32 $0x400;
	[sflag:s22] =	ssyncset.done $0x0  }
.LBB2_4:
0x67: {  	p0 =	sne.s32 s0, $0x4800  }
0x68: {  	[sflag:s22] =	ssyncadd.s32 $0xFFFFC180;
	s1 =	smov.u32 s0;
	s0 =	sadd.s32 $0x400, s0  }
0x69: {  	_ = 	snop  }
0x6a: {  	_ =	swait.ge [sflag:s25], $0x3E80  }
0x6b: {  	s1 =	sshra.s32 s1, $0x2;
	[sflag:s25] =	ssyncset.done $0x0  }
0x6c: {  	s7 =	sadd.s32 $0x80, s1;
	[sflag:s25] =	ssyncadd.s32 $0xFFFFC180  }
0x6d: {  	[tilespmem:s26], [sflag:$0x2] =	stream.indirect.gather [hbm4b:s4+s24], $0x80, s7, s24, $0xb8;
	[tilespmem:$0x1E800] =	vst v63  }
0x6e: {  	s7 =	sadd.s32 $0x1400, s1  }
0x6f: {  	[spmem:s2] =	stream.indirect.scatter.add.f32 [tilespmem:s21], [sflag:$0x3], $0x80, s7, s24, $0xb8;
	[tilespmem:$0x1E800] =	vst v63  }
0x70: {  	_ =	swait.ge [sflag:s22], $0x3E80  }
0x71: {  	[sflag:s22] =	ssyncset.done $0x0  }
0x72: {  	[sflag:s22] =	ssyncadd.s32 $0xFFFFC180  }
0x73: {  	_ =	swait.ge [sflag:s28], $0x3E80  }
0x74: {  	[sflag:s28] =	ssyncset.done $0x0  }
0x75: {  	s7 =	sadd.s32 $0x100, s1;
	[sflag:s28] =	ssyncadd.s32 $0xFFFFC180  }
0x76: {  	[tilespmem:s21], [sflag:$0x1] =	stream.indirect.gather [hbm4b:s4+s24], $0x80, s7, s24, $0xb8;
	[tilespmem:$0x1E800] =	vst v63  }
.Ltmp1:
0x77: {  	_ = 	snop;
	(pc) =	sbr.rel @p0 .LBB2_4-.Ltmp1, $4  }
0x78: {  	s1 =	sadd.s32 $0x1480, s1  }
0x79: {  	[spmem:s2] =	stream.indirect.scatter.add.f32 [tilespmem:s26], [sflag:$0x3], $0x80, s1, s24, $0xb8;
	[tilespmem:$0x1E800] =	vst v63  }
0x7a: {  	_ =	swait.ge [sflag:s22], $0x3E80  }
0x7b: {  	[sflag:s22] =	ssyncset.done $0x0  }
0x7c: {  	[sflag:s22] =	ssyncadd.s32 $0xFFFFC180  }
0x7d: {  	_ =	swait.ge [sflag:s25], $0x3E80  }
0x7e: {  	[sflag:s25] =	ssyncset.done $0x0  }
0x7f: {  	[sflag:s25] =	ssyncadd.s32 $0xFFFFC180  }
0x80: {  	[tilespmem:s26], [sflag:$0x2] =	stream.indirect.gather [hbm4b:s4+s24], $0x80, s29, s24, $0xb8;
	[tilespmem:$0x1E800] =	vst v63  }
0x81: {  	_ = 	snop  }
0x82: {  	[spmem:s2] =	stream.indirect.scatter.add.f32 [tilespmem:s21], [sflag:$0x3], $0x80, s30, s24, $0xb8;
	[tilespmem:$0x1E800] =	vst v63  }
0x83: {  	_ =	swait.ge [sflag:s22], $0x3E80  }
0x84: {  	[sflag:s22] =	ssyncset.done $0x0  }
0x85: {  	[sflag:s22] =	ssyncadd.s32 $0xFFFFC180  }
0x86: {  	_ =	swait.ge [sflag:s28], $0x3E80  }
0x87: {  	[sflag:s28] =	ssyncset.done $0x0  }
0x88: {  	[sflag:s28] =	ssyncadd.s32 $0xFFFFC180  }
0x89: {  	[spmem:s2] =	stream.indirect.scatter.add.f32 [tilespmem:s26], [sflag:$0x3], $0x80, s31, s24, $0xb8;
	[tilespmem:$0x1E800] =	vst v63  }
0x8a: {  	_ =	swait.ge [sflag:s22], $0x3E80  }
0x8b: {  	[sflag:s22] =	ssyncset.done $0x0  }
0x8c: {  	s0 =	simm.s32 $0x0;
	[sflag:s22] =	ssyncadd.s32 $0xFFFFC180  }
0x8d: {  	[tilespmem:s0], [sflag:$0x3] =	stream.linear.gather [hbm4b:s8+s0], $0x1400, $0x38;
	[tilespmem:$0x1E800] =	vst v63  }
0x8e: {  	_ =	swait.ge [sflag:s22], $0x1400  }
0x8f: {  	[sflag:s22] =	ssyncset.done $0x0  }
0x90: {  	[sflag:s22] =	ssyncadd.s32 $0xFFFFEC00  }
0x91: {  	[tilespmem:s23], [sflag:$0x3] =	stream.linear.gather [hbm4b:s9+s0], $0x1400, $0x38;
	[tilespmem:$0x1E800] =	vst v63  }
0x92: {  	_ =	swait.ge [sflag:s22], $0x1400  }
0x93: {  	[sflag:s22] =	ssyncset.done $0x0  }
0x94: {  	[sflag:s22] =	ssyncadd.s32 $0xFFFFEC00  }
0x95: {  	[tilespmem:s21], [sflag:$0x1] =	stream.indirect.gather [hbm4b:s4+s24], $0x80, s0, s24, $0xb8;
	[tilespmem:$0x1E800] =	vst v63  }
0x96: {  	_ =	swait.ge [sflag:s25], $0x3E80  }
0x97: {  	[sflag:s25] =	ssyncset.done $0x0  }
0x98: {  	s1 =	simm.s32 $0x80;
	[sflag:s25] =	ssyncadd.s32 $0xFFFFC180  }
0x99: {  	[tilespmem:s26], [sflag:$0x2] =	stream.indirect.gather [hbm4b:s4+s24], $0x80, s1, s24, $0xb8;
	[tilespmem:$0x1E800] =	vst v63  }
0x9a: {  	s7 =	simm.s32 $0x1400  }
0x9b: {  	[spmem:s2] =	stream.indirect.scatter.add.f32 [tilespmem:s21], [sflag:$0x3], $0x80, s7, s24, $0xb8;
	[tilespmem:$0x1E800] =	vst v63  }
0x9c: {  	_ =	swait.ge [sflag:s22], $0x3E80  }
0x9d: {  	[sflag:s22] =	ssyncset.done $0x0  }
0x9e: {  	[sflag:s22] =	ssyncadd.s32 $0xFFFFC180  }
0x9f: {  	_ =	swait.ge [sflag:s28], $0x3E80  }
0xa0: {  	[sflag:s28] =	ssyncset.done $0x0  }
0xa1: {  	s1 =	simm.s32 $0x100;
	[sflag:s28] =	ssyncadd.s32 $0xFFFFC180  }
0xa2: {  	[tilespmem:s21], [sflag:$0x1] =	stream.indirect.gather [hbm4b:s4+s24], $0x80, s1, s24, $0xb8;
	[tilespmem:$0x1E800] =	vst v63  }
0xa3: {  	s7 =	simm.s32 $0x1480  }
0xa4: {  	[spmem:s2] =	stream.indirect.scatter.add.f32 [tilespmem:s26], [sflag:$0x3], $0x80, s7, s24, $0xb8;
	[tilespmem:$0x1E800] =	vst v63  }
0xa5: {  	_ =	swait.ge [sflag:s22], $0x3E80  }
0xa6: {  	s0 =	simm.s32 $0x400;
	[sflag:s22] =	ssyncset.done $0x0  }
.LBB2_6:
0xa7: {  	p0 =	sne.s32 s0, $0x4800  }
0xa8: {  	[sflag:s22] =	ssyncadd.s32 $0xFFFFC180;
	s1 =	smov.u32 s0;
	s0 =	sadd.s32 $0x400, s0  }
0xa9: {  	_ = 	snop  }
0xaa: {  	_ =	swait.ge [sflag:s25], $0x3E80  }
0xab: {  	s1 =	sshra.s32 s1, $0x2;
	[sflag:s25] =	ssyncset.done $0x0  }
0xac: {  	s7 =	sadd.s32 $0x80, s1;
	[sflag:s25] =	ssyncadd.s32 $0xFFFFC180  }
0xad: {  	[tilespmem:s26], [sflag:$0x2] =	stream.indirect.gather [hbm4b:s4+s24], $0x80, s7, s24, $0xb8;
	[tilespmem:$0x1E800] =	vst v63  }
0xae: {  	s7 =	sadd.s32 $0x1400, s1  }
0xaf: {  	[spmem:s2] =	stream.indirect.scatter.add.f32 [tilespmem:s21], [sflag:$0x3], $0x80, s7, s24, $0xb8;
	[tilespmem:$0x1E800] =	vst v63  }
0xb0: {  	_ =	swait.ge [sflag:s22], $0x3E80  }
0xb1: {  	[sflag:s22] =	ssyncset.done $0x0  }
0xb2: {  	[sflag:s22] =	ssyncadd.s32 $0xFFFFC180  }
0xb3: {  	_ =	swait.ge [sflag:s28], $0x3E80  }
0xb4: {  	[sflag:s28] =	ssyncset.done $0x0  }
0xb5: {  	s7 =	sadd.s32 $0x100, s1;
	[sflag:s28] =	ssyncadd.s32 $0xFFFFC180  }
0xb6: {  	[tilespmem:s21], [sflag:$0x1] =	stream.indirect.gather [hbm4b:s4+s24], $0x80, s7, s24, $0xb8;
	[tilespmem:$0x1E800] =	vst v63  }
.Ltmp2:
0xb7: {  	_ = 	snop;
	(pc) =	sbr.rel @p0 .LBB2_6-.Ltmp2, $4  }
0xb8: {  	s1 =	sadd.s32 $0x1480, s1  }
0xb9: {  	[spmem:s2] =	stream.indirect.scatter.add.f32 [tilespmem:s26], [sflag:$0x3], $0x80, s1, s24, $0xb8;
	[tilespmem:$0x1E800] =	vst v63  }
0xba: {  	_ =	swait.ge [sflag:s22], $0x3E80  }
0xbb: {  	[sflag:s22] =	ssyncset.done $0x0  }
0xbc: {  	[sflag:s22] =	ssyncadd.s32 $0xFFFFC180  }
0xbd: {  	_ =	swait.ge [sflag:s25], $0x3E80  }
0xbe: {  	[sflag:s25] =	ssyncset.done $0x0  }
0xbf: {  	[sflag:s25] =	ssyncadd.s32 $0xFFFFC180  }
0xc0: {  	[tilespmem:s26], [sflag:$0x2] =	stream.indirect.gather [hbm4b:s4+s24], $0x80, s29, s24, $0xb8;
	[tilespmem:$0x1E800] =	vst v63  }
0xc1: {  	_ = 	snop  }
0xc2: {  	[spmem:s2] =	stream.indirect.scatter.add.f32 [tilespmem:s21], [sflag:$0x3], $0x80, s30, s24, $0xb8;
	[tilespmem:$0x1E800] =	vst v63  }
0xc3: {  	_ =	swait.ge [sflag:s22], $0x3E80  }
0xc4: {  	[sflag:s22] =	ssyncset.done $0x0  }
0xc5: {  	[sflag:s22] =	ssyncadd.s32 $0xFFFFC180  }
0xc6: {  	_ =	swait.ge [sflag:s28], $0x3E80  }
0xc7: {  	[sflag:s28] =	ssyncset.done $0x0  }
0xc8: {  	[sflag:s28] =	ssyncadd.s32 $0xFFFFC180  }
0xc9: {  	[spmem:s2] =	stream.indirect.scatter.add.f32 [tilespmem:s26], [sflag:$0x3], $0x80, s31, s24, $0xb8;
	[tilespmem:$0x1E800] =	vst v63  }
0xca: {  	s0 =	stileid.u32;
	_ =	swait.ge [sflag:s22], $0x3E80  }
0xcb: {  	s1 =	sshrl.u32 s5, $0x3;
	s3 =	sadd.s32 $0x1, s3;
	[sflag:s22] =	ssyncset.done $0x0  }
0xcc: {  	s0 =	sshll.u32 s0, $0x6;
	p0 =	sne.s32 s3, s11;
	[sflag:s22] =	ssyncadd.s32 $0xFFFFC180  }
.Ltmp3:
0xcd: {  	s0 =	sor.u32 $0x1C03, s0;
	[bflag:$0x0] =	sbarrier.arrive $0xFFFF;
	(pc) =	sbr.rel @p0 .LBB2_1-.Ltmp3, $4  }
0xce: {  	[hbm:s10], [sflag:s0] =	dma.local [spmem:s1], $0x2800  }
0xcf: {  	_ =	swait.ge [sflag:s22], $0x2800  }
0xd0: {  	[sflag:s22] =	ssyncset.done $0x0  }
0xd1: {  	[sflag:s22] =	ssyncadd.s32 $0xFFFFD800  }
0xd2: {  	_ =	sfence.sel $0x180000  }
0xd3: {  	[bflag:$0x0] =	sbarrier.arrive $0xFFFF  }
0xd4: {  	_ =	strace $0x9000004A  }
0xd5: {  	s0 =	stileid.u32;
	[bflag:$0x2] =	sbarrier.arrive $0xFFFF  }
0xd6: {  	p0 =	sne.s32 s0, $0x0;
	s0 =	rddreg [dreg:$0x3]  }
0xd7: {  	s0 =	sadd.s32 @!p0 $0x100000, s0  }
0xd8: {  	[sflag:s0] =	ssyncadd.tile.s32 @!p0 $0x1;
	_ =	shalt  }
.Lfunc_end2:
_tile_overlayer_lowered:
.L_overlay_start_2:
0xd9: {  	(tag) =	ssettag $0x2  }
0xda: {  	s0 =	rddreg [dreg:$0x0];
	s2 =	stileid.u32  }
0xdb: {  	s1 =	rddreg [dreg:$0x1];
	p0 =	sne.s32 s2, $0x0  }
0xdc: {  	s3 =	rddreg [dreg:$0x2];
	[bflag:$0x3] =	sbarrier.arrive $0xFFFF;
	s2 =	simm.s32 @!p0 $0x1C03  }
0xdd: {  	[timem:s3], [sflag:s2] =	dma.local @!p0 [hbm:s0], s1  }
0xde: {  	s0 =	simm.s32 @!p0 $0x3  }
0xdf: {  	_ =	swait.ge @!p0 [sflag:s0], s1  }
0xe0: {  	s1 =	ssub.s32 @!p0 $0x0, s1;
	[sflag:s0] =	ssyncset.done @!p0 $0x0  }
0xe1: {  	[sflag:s0] =	ssyncadd.s32 @!p0 s1  }
0xe2: {  	[bflag:$0x3] =	sbarrier.arrive $0xFFFF  }
0xe3: {  	_ =	shalt  }

// kernel: kernel.7.cloned.1.call-start
scs
__scs_entry_jumppad:
0x0: {  	(pc) =	sbr.rel $0x88, $3  }
0x1: {  	(tag) =	ssettag $0x0;
	lr =	simm.s32 $0x1  }
0x2: {  	[smem:$0x3F8B] =	sst lr;
	_ =	strace $0xD0000000  }
0x3: {  	_ = 	snop  }
0x4: {  	_ = 	snop  }
0x5: {  	_ = 	snop  }
0x6: {  	_ = 	snop  }
0x7: {  	_ = 	snop  }
__scs_overlays_trampoline_lowered:
0x8: {  	[smem:$0x3F9A] =	sst s0  }
0x9: {  	[smem:$0x3F9B] =	sst s1  }
0xa: {  	[smem:$0x3F9C] =	sst s2  }
0xb: {  	[smem:$0x3F9D] =	sst s3  }
0xc: {  	[smem:$0x3F9E] =	sst s4  }
0xd: {  	[smem:$0x3F9F] =	sst s5  }
0xe: {  	[smem:$0x3FA0] =	sst s6  }
0xf: {  	[smem:$0x3FA1] =	sst s7  }
0x10: {  	[smem:$0x3FA2] =	sst s8  }
0x11: {  	[smem:$0x3FA3] =	sst s9;
	s0 =	simm.s32 @!p0 $0x0  }
0x12: {  	s1 =	sld [smem:$0x3F89];
	s0 =	simm.s32 @p0 $0x1  }
0x13: {  	[smem:$0x3FA4] =	sst s0;
	s0 =	simm.s32 @!p1 $0x0  }
0x14: {  	s2 =	sld [smem:$0x3F88];
	s0 =	simm.s32 @p1 $0x1  }
0x15: {  	[smem:$0x3FA5] =	sst s0;
	s0 =	simm.s32 @!p2 $0x0  }
0x16: {  	s3 =	sld [smem:$0x3FDB];
	s0 =	simm.s32 @p2 $0x1  }
0x17: {  	s4 =	simm.s32 $0x1BF5;
	[smem:$0x3FA7] =	sst s0  }
0x18: {  	s0 =	sld [smem:$0x3F8A];
	_ =	swait.ge [sflag:s4], $0x0  }
0x19: {  	s7 =	sld [smem:$0x3F8B]  }
0x1a: {  	s8 =	sadd.s32 $0xFFFFE003, lr  }
0x1b: {  	s9 =	sadd.s32 $0xFFFFFEF7, lr;
	s5 =	simm.s32 $0xFFFFFFFF;
	p2 =	slt.u32 s8, $0xFFFFF086  }
0x1c: {  	p1 =	slt.u32 s9, $0xF7A;
	s5 =	simm.s32 @!p2 $0x0  }
0x1d: {  	s5 =	simm.s32 @p1 $0x1;
	p0 =	seq.s32 s7, s2  }
0x1e: {  	s7 =	smul.u32 @!p0 $0xF7A, s2;
	p2 =	seq.s32 @!p0 s5, $0x0  }
0x1f: {  	s9 =	smul.u32 $0xF7A, s1;
	s8 =	simm.s32 @!p0 $0x1BF5;
	p2 =	por !p2, p0  }
0x20: {  	[sflag:s8] =	ssyncset.s32 @!p0 $0xFFFFF086;
	s6 =	sadd.s32 @!p0 s3, s7;
	s7 =	simm.s32 @!p0 $0x108  }
0x21: {  	s3 =	sadd.s32 s3, s9;
	s6 =	sadd.s32 @!p0 $0x88, s6;
	s7 =	simm.s32 @p2 $0x1082  }
0x22: {  	[simem:s7], [sflag:s8] =	dma.local @!p0 [hbm:s6], $0xF7A  }
0x23: {  	s9 =	sor.u32 $0xD0000000, s2;
	s6 =	simm.s32 $0x108;
	_ =	swait.ge @!p0 [sflag:s8], $0x0  }
0x24: {  	s3 =	sadd.s32 $0x88, s3;
	s6 =	simm.s32 @!p1 $0x1082;
	[sflag:s4] =	ssyncset.s32 $0xFFFFF086  }
0x25: {  	[simem:s6], [sflag:s4] =	dma.local [hbm:s3], $0xF7A  }
0x26: {  	[smem:$0x3F8B] =	sst s1;
	(tag) =	ssettag s2;
	_ =	strace s9  }
0x27: {  	s1 =	sld [smem:$0x3F9B]  }
0x28: {  	s2 =	sld [smem:$0x3F9C]  }
0x29: {  	s4 =	sld [smem:$0x3F9E]  }
0x2a: {  	p0 =	seq.s32 s5, $0x0;
	s5 =	sld [smem:$0x3F9F]  }
0x2b: {  	s6 =	sld [smem:$0x3FA0]  }
0x2c: {  	s7 =	sld [smem:$0x3FA1]  }
0x2d: {  	s3 =	simm.s32 $0x108;
	s8 =	sld [smem:$0x3FA2]  }
0x2e: {  	s3 =	simm.s32 @!p0 $0x1082;
	s9 =	sld [smem:$0x3FA3]  }
0x2f: {  	lr =	sadd.s32 s0, s3;
	s0 =	sld [smem:$0x3F9A]  }
0x30: {  	s3 =	sld [smem:$0x3F9D]  }
0x31: {  	[smem:$0x3FA6] =	sst s10  }
0x32: {  	s10 =	sld [smem:$0x3FA4];
	_ =	sdelay $0x3  }
0x33: {  	p0 =	seq.s32 s10, $0x1;
	s10 =	sld [smem:$0x3FA6];
	_ =	sdelay $0x3  }
0x34: {  	[smem:$0x3FA6] =	sst s10  }
0x35: {  	s10 =	sld [smem:$0x3FA5];
	_ =	sdelay $0x3  }
0x36: {  	p1 =	seq.s32 s10, $0x1;
	s10 =	sld [smem:$0x3FA6];
	_ =	sdelay $0x3  }
0x37: {  	[smem:$0x3FA6] =	sst s10  }
0x38: {  	s10 =	sld [smem:$0x3FA7]  }
0x39: {  	_ = 	snop;
	(pc) =	sbr.ind lr, $3  }
0x3a: {  	_ = 	snop  }
0x3b: {  	_ = 	snop  }
0x3c: {  	p2 =	seq.s32 s10, $0x1;
	s10 =	sld [smem:$0x3FA6]  }
0x3d: {  	_ =	shalt  }
0x3e: {  	_ =	shalt  }
0x3f: {  	_ =	shalt  }
0x40: {  	_ =	shalt  }
0x41: {  	_ =	shalt  }
0x42: {  	_ =	shalt  }
0x43: {  	_ =	shalt  }
0x44: {  	_ =	shalt  }
0x45: {  	_ =	shalt  }
0x46: {  	_ =	shalt  }
0x47: {  	_ =	shalt  }
0x48: {  	_ =	shalt  }
0x49: {  	_ =	shalt  }
0x4a: {  	_ =	shalt  }
0x4b: {  	_ =	shalt  }
0x4c: {  	_ =	shalt  }
0x4d: {  	_ =	shalt  }
0x4e: {  	_ =	shalt  }
0x4f: {  	_ =	shalt  }
0x50: {  	_ =	shalt  }
0x51: {  	_ =	shalt  }
0x52: {  	_ =	shalt  }
0x53: {  	_ =	shalt  }
0x54: {  	_ =	shalt  }
0x55: {  	_ =	shalt  }
0x56: {  	_ =	shalt  }
0x57: {  	_ =	shalt  }
0x58: {  	_ =	shalt  }
0x59: {  	_ =	shalt  }
0x5a: {  	_ =	shalt  }
0x5b: {  	_ =	shalt  }
0x5c: {  	_ =	shalt  }
0x5d: {  	_ =	shalt  }
0x5e: {  	_ =	shalt  }
0x5f: {  	_ =	shalt  }
0x60: {  	_ =	shalt  }
0x61: {  	_ =	shalt  }
0x62: {  	_ =	shalt  }
0x63: {  	_ =	shalt  }
0x64: {  	_ =	shalt  }
0x65: {  	_ =	shalt  }
0x66: {  	_ =	shalt  }
0x67: {  	_ =	shalt  }
0x68: {  	_ =	shalt  }
0x69: {  	_ =	shalt  }
0x6a: {  	_ =	shalt  }
0x6b: {  	_ =	shalt  }
0x6c: {  	_ =	shalt  }
0x6d: {  	_ =	shalt  }
0x6e: {  	_ =	shalt  }
0x6f: {  	_ =	shalt  }
0x70: {  	_ =	shalt  }
0x71: {  	_ =	shalt  }
0x72: {  	_ =	shalt  }
0x73: {  	_ =	shalt  }
0x74: {  	_ =	shalt  }
0x75: {  	_ =	shalt  }
0x76: {  	_ =	shalt  }
0x77: {  	_ =	shalt  }
0x78: {  	_ =	shalt  }
0x79: {  	_ =	shalt  }
0x7a: {  	_ =	shalt  }
0x7b: {  	_ =	shalt  }
0x7c: {  	_ =	shalt  }
0x7d: {  	_ =	shalt  }
0x7e: {  	_ =	shalt  }
0x7f: {  	_ =	shalt  }
0x80: {  	_ =	shalt  }
0x81: {  	_ =	shalt  }
0x82: {  	_ =	shalt  }
0x83: {  	_ =	shalt  }
0x84: {  	_ =	shalt  }
0x85: {  	_ =	shalt  }
0x86: {  	_ =	shalt  }
0x87: {  	_ =	shalt  }
.Lfunc_end0:
.L_simem_size_0:
called_computation_lowered:
.L_overlay_start_0:
0x88: {  	s2 =	sld [smem:$0x3FD9]  }
0x89: {  	s3 =	sld [smem:$0x3FFE];
	_ =	sdelay $0x1  }
0x8a: {  	s1 =	srdreg.scid  }
0x8b: {  	s0 =	sand.u32 $0x1, s1  }
0x8c: {  	s16 =	sshll.u32 s0, $0xA;
	s2 =	sadd.s32 s3, s2  }
0x8d: {  	s2 =	sadd.s32 s2, s16  }
0x8e: {  	[smem:$0x3FB2] =	sst s2  }
0x8f: {  	_ = 	snop  }
0x90: {  	(tm) =	ssettm $0x1  }
0x91: {  	s17 =	sld [smem:$0x3FFB];
	_ =	sdelay $0x3  }
0x92: {  	_ =	strace s17  }
0x93: {  	s2 =	sld [smem:$0x3FFC];
	_ =	sdelay $0x3  }
0x94: {  	_ =	strace s2  }
0x95: {  	s2 =	sld [smem:$0x3FFD];
	_ =	sdelay $0x3  }
0x96: {  	_ =	strace s2  }
0x97: {  	_ =	strace $0x8FFFFFFF  }
0x98: {  	s18 =	sld [smem:$0x3FDB];
	_ =	sdelay $0x1  }
0x99: {  	s19 =	simm.s32 $_scs_section_size  }
0x9a: {  	s4 =	simm.s32 $_size__tile_overlayer_lowered;
	s5 =	simm.s32 $_tile_overlayer_lowered  }
0x9b: {  	s22 =	simm.s32 $0x1BFF;
	s21 =	sshll.u32 s5, $0x1;
	s2 =	sadd.s32 s19, s18  }
0x9c: {  	s6 =	simm.s32 $0x0;
	s20 =	sshll.u32 s4, $0x1;
	s4 =	sadd.s32 s21, s2  }
0x9d: {  	[timem:s6], [sflag:s22] =	dma.local [hbm:s4], s20  }
0x9e: {  	_ =	swait.ge [sflag:s22], s20  }
0x9f: {  	s3 =	ssub.s32 $0x0, s20;
	[sflag:s22] =	ssyncset.done $0x0  }
0xa0: {  	[sflag:s22] =	ssyncadd.s32 s3;
	_ =	sdelay $0x1  }
0xa1: {  	s23 =	simm.s32 $0x1B8B  }
0xa2: {  	_ =	swait.ge [sflag:s23], $0x1  }
0xa3: {  	[sflag:s23] =	ssyncset.done $0x0  }
0xa4: {  	s25 =	simm.s32 $0x1B8E;
	s24 =	sld [smem:$0x3FFE];
	[sflag:s23] =	ssyncadd.s32 $0xFFFFFFFF  }
0xa5: {  	s26 =	simm.s32 $execute0_lowered;
	[smem:$0x3FD2] =	sst s25  }
0xa6: {  	s4 =	sshll.u32 s26, $0x1;
	_ =	strace $0x80000046;
	[dreg:$0x1] =	wrdreg $0xFFFFFFFF  }
0xa7: {  	s28 =	simm.s32 $_size_execute0_lowered;
	s2 =	sadd.s32 s2, s4;
	[dreg:$0x0] =	wrdreg $0x0  }
0xa8: {  	s4 =	sshll.u32 s28, $0x1;
	[dreg:$0x2] =	wrdreg s2  }
0xa9: {  	[dreg:$0x3] =	wrdreg s4  }
0xaa: {  	[dreg:$0x4] =	wrdreg $0xC0  }
0xab: {  	_ =	task [dreg:s6], $0x5FFFF  }
0xac: {  	[dreg:$0x1] =	wrdreg $0xFFFFFFFF  }
0xad: {  	[dreg:$0x0] =	wrdreg $0x60  }
0xae: {  	[dreg:$0x2] =	wrdreg s24  }
0xaf: {  	[dreg:$0x3] =	wrdreg $0x7A000  }
0xb0: {  	[dreg:$0x4] =	wrdreg $0x9  }
0xb1: {  	_ =	task.clear_ibuf [dreg:s6], $0x5FFFF;
	_ =	strace $0x90000046  }
0xb2: {  	s29 =	simm.s32 $0x9;
	_ =	strace $0x80000048  }
0xb3: {  	_ =	swait.ge [sflag:s29], $0x1  }
0xb4: {  	[sflag:s29] =	ssyncadd.s32 $0xFFFFFFFF  }
0xb5: {  	_ =	strace $0x90000048  }
0xb6: {  	_ =	sfence  }
0xb7: {  	s30 =	sld [smem:$0x0];
	_ =	sdelay $0x2  }
0xb8: {  	s31 =	sshll.u32 s1, $0xD;
	s1 =	sshrl.u32 s1, $0x2  }
0xb9: {  	s3 =	sand.u32 $0x4000, s31;
	s1 =	sadd.s32 s1, s30  }
0xba: {  	s0 =	sor.u32 s3, s0;
	s1 =	sshll.u32 s1, $0x11  }
0xbb: {  	s0 =	sor.u32 s1, s0  }
0xbc: {  	s0 =	sadd.s32 $0x8F2B, s0  }
0xbd: {  	[sflag:s0] =	ssyncadd.remote.s32 $0x1  }
0xbe: {  	_ =	sfence.sel $0xFFFF  }
0xbf: {  	[dreg:$0x0] =	wrdreg $0xFFFFFFFF;
	(pc) =	sbr.abs _section_cstart, $3  }
0xc0: {  	[dreg:$0x1] =	wrdreg $0xFFFFFFFF  }
0xc1: {  	_ =	task.clear_ibuf [dreg:s6], $0x2FFFF;
	_ =	strace $0x9FFFFFFF  }
0xc2: {  	(tm) =	ssettm $0x7FFFFFFF  }
0xc3: {  	_ =	shalt  }
tec
execute0_lowered:
.L_overlay_start_1:
0x0: {  	(tag) =	ssettag $0x1  }
0x1: {  	s4 =	rddreg [dreg:$0x0]  }
0x2: {  	s0 =	srdreg.scid;
	s5 =	rddreg [dreg:$0x1]  }
0x3: {  	s2 =	simm.s32 $0x0;
	s12 =	simm.s32 $0x1400;
	s13 =	simm.s32 $0x14000  }
0x4: {  	s14 =	simm.s32 $0x4F80;
	s15 =	simm.s32 $0x100;
	s16 =	simm.s32 $0x7780  }
0x5: {  	s17 =	simm.s32 $0x0;
	s3 =	sand.u32 $0x1, s0;
	s0 =	stileid.u32  }
0x6: {  	[smem:$0x7FF] =	sst s2;
	s1 =	sshll.u32 s3, $0x4;
	s7 =	sshll.u32 s0, $0x7  }
0x7: {  	s8 =	smul.u32 $0x500, s0;
	s9 =	sshll.u32 s3, $0x7;
	s10 =	sshrl.u32 s0, $0x3  }
0x8: {  	s3 =	ssub.s32 $0x2, s3;
	s28 =	smul.u32 $0x5000, s0;
	s1 =	sor.u32 s0, s1  }
0x9: {  	s7 =	sand.u32 $0x380, s7;
	s26 =	smul.u32 $0x50000, s10;
	s1 =	sshrl.u32 s1, $0x3  }
0xa: {  	s29 =	sshrl.u32 s3, $0x1;
	s10 =	simm.s32 $0x1;
	s6 =	smul.u32 $0x13C00, s1  }
0xb: {  	s8 =	sor.u32 s9, s8;
	s11 =	ssub.s32 s3, s29;
	s31 =	sshrl.u32 s28, $0x2  }
0xc: {  	s1 =	rddreg [dreg:$0x2];
	_ =	strace $0x80000047;
	s6 =	sor.u32 s7, s6  }
0xd: {  	s8 =	sshrl.u32 s8, $0x3;
	s9 =	sshrl.u32 s26, $0x2;
	s6 =	sadd.s32 $0x4F000, s6  }
0xe: {  	s8 =	sadd.s32 s8, s4;
	s30 =	sadd.s32 s9, s5;
	s6 =	sshrl.u32 s6, $0x3  }
0xf: {  	s5 =	sadd.s32 s31, s5;
	s9 =	simm.s32 $0x400;
	s6 =	sadd.s32 s6, s4  }
0x10: {  	s4 =	sadd.s32 s7, s30;
	s7 =	smax.u32 s11, $0x1;
	s11 =	simm.s32 $0x2780  }
0x11: {  	v0 =	vimm.f32 $0.0e+00;
	v1 =	vimm.f32 $1.000000000e+00;
	s3 =	sadd.s32 $0x4200, s6;
	s6 =	sadd.s32 $0x17E00, s8;
	s8 =	simm.s32 $0x80  }
.LBB2_1:
0x12: {  	[tilespmem:s2], [sflag:$0x1] =	stream.strided.gather [hbm4b:s3+s8], $0x2780, s9, s8, $0x38;
	[tilespmem:$0xA200] =	vst v63  }
0x13: {  	_ =	swait.ge [sflag:s10], $0x2780  }
0x14: {  	[sflag:s10] =	ssyncset.done $0x0  }
0x15: {  	s18 =	simm.s32 $0x0;
	[sflag:s10] =	ssyncadd.s32 $0xFFFFD880  }
.LBB2_2:
0x16: {  	p0 =	sne.s32 s18, $0x9FC0  }
.Ltmp0:
0x17: {  	_ = 	snop;
	(pc) =	sbr.rel @p0 .LBB2_2-.Ltmp0, $3  }
0x18: {  	_ =	sdelay $0x1  }
0x19: {  	s19 =	sshra.s32 s18, $0x2  }
0x1a: {  	s18 =	sadd.s32 $0x40, s18;
	[tilespmem:s19+$0x2780] =	vst v0  }
0x1b: {  	s19 =	simm.s32 $0x0;
	s18 =	simm.s32 $0x40  }
.LBB2_4:
0x1c: {  	p0 =	sne.s32 s18, $0x9C00;
	v2 =	vld [tilespmem:s19+$0x0];
	_ =	sdelay $0x3  }
.Ltmp1:
0x1d: {  	(pc) =	sbr.rel @p0 .LBB2_4-.Ltmp1, $2  }
0x1e: {  	_ =	sdelay $0x2  }
0x1f: {  	s19 =	sshra.s32 s18, $0x2;
	s18 =	sadd.s32 $0x40, s18;
	[tilespmem:v2+s11+$0x0] =	vst.idx.add.f32.msk $0xffff, v1  }
0x20: {  	v2 =	vld [tilespmem:s19+$0x0];
	_ =	sdelay $0x7  }
0x21: {  	[tilespmem:v2+s11+$0x0] =	vst.idx.add.f32.msk $0xffff, v1  }
0x22: {  	[spmem:s4] =	stream.strided.scatter [tilespmem:s11], [sflag:$0x1], $0x2800, s9, s8, $0x38;
	[tilespmem:$0xA200] =	vst v63  }
0x23: {  	_ =	swait.ge [sflag:s10], $0x2800  }
0x24: {  	[sflag:s10] =	ssyncset.done $0x0  }
0x25: {  	[sflag:s10] =	ssyncadd.s32 $0xFFFFD800  }
0x26: {  	[bflag:$0x0] =	sbarrier.arrive $0xFFFF  }
0x27: {  	[tilespmem:s14], [sflag:$0x1] =	stream.strided.gather [spmem:s5], $0x2800, s13, s12, $0x38;
	[tilespmem:$0xA200] =	vst v63  }
0x28: {  	s18 =	simm.s32 $0x0;
	_ =	swait.ge [sflag:s10], $0x2800  }
0x29: {  	s30 =	sand.u32 $0x70, s18;
	s18 =	sand.u32 $0x1C00, s18;
	[sflag:s10] =	ssyncset.done $0x0  }
0x2a: {  	s18 =	sor.u32 s30, s18;
	[sflag:s10] =	ssyncadd.s32 $0xFFFFD800  }
0x2b: {  	v2 =	vld [tilespmem:s18+$0x5000]  }
0x2c: {  	v3 =	vld [tilespmem:s18+$0x4F80];
	_ =	sdelay $0x1  }
0x2d: {  	v4 =	vld [tilespmem:s18+$0x5080];
	_ =	sdelay $0x1  }
0x2e: {  	v5 =	vld [tilespmem:s18+$0x5100]  }
0x2f: {  	v2 =	vadd.f32 v2, v3  }
0x30: {  	v3 =	vld [tilespmem:s18+$0x5180]  }
0x31: {  	v2 =	vadd.f32 v4, v2  }
0x32: {  	v56 =	vld [tilespmem:s18+$0x5200]  }
0x33: {  	v2 =	vadd.f32 v5, v2  }
0x34: {  	v57 =	vld [tilespmem:s18+$0x5280]  }
0x35: {  	v2 =	vadd.f32 v3, v2  }
0x36: {  	v3 =	vld [tilespmem:s18+$0x5300]  }
0x37: {  	v2 =	vadd.f32 v56, v2  }
0x38: {  	v58 =	vld [tilespmem:s18+$0x6380]  }
0x39: {  	v2 =	vadd.f32 v57, v2  }
0x3a: {  	v59 =	vld [tilespmem:s18+$0x6400]  }
0x3b: {  	v2 =	vadd.f32 v3, v2  }
0x3c: {  	v3 =	vld [tilespmem:s18+$0x6480]  }
0x3d: {  	v2 =	vadd.f32 v58, v2  }
0x3e: {  	v60 =	vld [tilespmem:s18+$0x6500]  }
0x3f: {  	v2 =	vadd.f32 v59, v2  }
0x40: {  	v61 =	vld [tilespmem:s18+$0x6580]  }
0x41: {  	v2 =	vadd.f32 v3, v2  }
0x42: {  	v3 =	vld [tilespmem:s18+$0x6600]  }
0x43: {  	v2 =	vadd.f32 v60, v2  }
0x44: {  	v62 =	vld [tilespmem:s18+$0x6680]  }
0x45: {  	v2 =	vadd.f32 v61, v2  }
0x46: {  	v63 =	vld [tilespmem:s18+$0x6700]  }
0x47: {  	v2 =	vadd.f32 v3, v2;
	_ =	sdelay $0x1  }
0x48: {  	v2 =	vadd.f32 v62, v2;
	_ =	sdelay $0x1  }
0x49: {  	s31 =	simm.s32 $0x10;
	s20 =	simm.s32 $0x80;
	v2 =	vadd.f32 v63, v2  }
0x4a: {  	s19 =	sand.u32 $0x70, s31;
	s21 =	sand.u32 $0x1C00, s20;
	s18 =	simm.s32 $0x7780  }
0x4b: {  	s19 =	sor.u32 s19, s21;
	s21 =	simm.s32 $0x20;
	[tilespmem:s18+$0x0] =	vst v2  }
.LBB2_6:
0x4c: {  	p0 =	sne.s32 s21, $0x270;
	v2 =	vld [tilespmem:s19+$0x5000]  }
0x4d: {  	v3 =	vld [tilespmem:s19+$0x4F80];
	_ =	sdelay $0x1  }
0x4e: {  	v4 =	vld [tilespmem:s19+$0x5080];
	_ =	sdelay $0x1  }
0x4f: {  	v5 =	vld [tilespmem:s19+$0x5100]  }
0x50: {  	v2 =	vadd.f32 v2, v3  }
0x51: {  	v3 =	vld [tilespmem:s19+$0x5180]  }
0x52: {  	v2 =	vadd.f32 v4, v2  }
0x53: {  	v4 =	vld [tilespmem:s19+$0x5200]  }
0x54: {  	v2 =	vadd.f32 v5, v2  }
0x55: {  	v5 =	vld [tilespmem:s19+$0x5280]  }
0x56: {  	v2 =	vadd.f32 v3, v2  }
0x57: {  	v3 =	vld [tilespmem:s19+$0x5300]  }
0x58: {  	v2 =	vadd.f32 v4, v2  }
0x59: {  	v4 =	vld [tilespmem:s19+$0x6380]  }
0x5a: {  	v2 =	vadd.f32 v5, v2  }
0x5b: {  	v5 =	vld [tilespmem:s19+$0x6400]  }
0x5c: {  	v2 =	vadd.f32 v3, v2  }
0x5d: {  	v3 =	vld [tilespmem:s19+$0x6480]  }
0x5e: {  	v2 =	vadd.f32 v4, v2  }
0x5f: {  	v4 =	vld [tilespmem:s19+$0x6500]  }
0x60: {  	v2 =	vadd.f32 v5, v2  }
0x61: {  	v5 =	vld [tilespmem:s19+$0x6580]  }
0x62: {  	v2 =	vadd.f32 v3, v2  }
0x63: {  	v3 =	vld [tilespmem:s19+$0x6600]  }
0x64: {  	v2 =	vadd.f32 v4, v2  }
0x65: {  	v4 =	vld [tilespmem:s19+$0x6680]  }
0x66: {  	v2 =	vadd.f32 v5, v2  }
0x67: {  	v5 =	vld [tilespmem:s19+$0x6700]  }
0x68: {  	v2 =	vadd.f32 v3, v2;
	_ =	sdelay $0x1  }
.Ltmp2:
0x69: {  	v2 =	vadd.f32 v4, v2;
	(pc) =	sbr.rel @p0 .LBB2_6-.Ltmp2, $4  }
0x6a: {  	_ = 	snop  }
0x6b: {  	s20 =	sadd.s32 $0x80, s20;
	v2 =	vadd.f32 v5, v2  }
0x6c: {  	s18 =	sadd.s32 $0x10, s18;
	s22 =	sand.u32 $0x1C00, s20;
	s19 =	sand.u32 $0x70, s21  }
0x6d: {  	s21 =	sadd.s32 $0x10, s21;
	s19 =	sor.u32 s19, s22;
	[tilespmem:s18+$0x0] =	vst v2  }
0x6e: {  	v2 =	vld [tilespmem:s19+$0x5000]  }
0x6f: {  	v3 =	vld [tilespmem:s19+$0x4F80];
	_ =	sdelay $0x1  }
0x70: {  	v4 =	vld [tilespmem:s19+$0x5080];
	_ =	sdelay $0x1  }
0x71: {  	v5 =	vld [tilespmem:s19+$0x5100]  }
0x72: {  	v2 =	vadd.f32 v2, v3  }
0x73: {  	v3 =	vld [tilespmem:s19+$0x5180]  }
0x74: {  	v2 =	vadd.f32 v4, v2  }
0x75: {  	v56 =	vld [tilespmem:s19+$0x5200]  }
0x76: {  	v2 =	vadd.f32 v5, v2  }
0x77: {  	v57 =	vld [tilespmem:s19+$0x5280]  }
0x78: {  	v2 =	vadd.f32 v3, v2  }
0x79: {  	v3 =	vld [tilespmem:s19+$0x5300]  }
0x7a: {  	v2 =	vadd.f32 v56, v2  }
0x7b: {  	v58 =	vld [tilespmem:s19+$0x6380]  }
0x7c: {  	v2 =	vadd.f32 v57, v2  }
0x7d: {  	v59 =	vld [tilespmem:s19+$0x6400]  }
0x7e: {  	v2 =	vadd.f32 v3, v2  }
0x7f: {  	v3 =	vld [tilespmem:s19+$0x6480]  }
0x80: {  	v2 =	vadd.f32 v58, v2  }
0x81: {  	v60 =	vld [tilespmem:s19+$0x6500]  }
0x82: {  	v2 =	vadd.f32 v59, v2  }
0x83: {  	v61 =	vld [tilespmem:s19+$0x6580]  }
0x84: {  	v2 =	vadd.f32 v3, v2  }
0x85: {  	v3 =	vld [tilespmem:s19+$0x6600]  }
0x86: {  	v2 =	vadd.f32 v60, v2  }
0x87: {  	v62 =	vld [tilespmem:s19+$0x6680]  }
0x88: {  	v2 =	vadd.f32 v61, v2  }
0x89: {  	v63 =	vld [tilespmem:s19+$0x6700]  }
0x8a: {  	v2 =	vadd.f32 v3, v2;
	_ =	sdelay $0x1  }
0x8b: {  	v2 =	vadd.f32 v62, v2;
	_ =	sdelay $0x1  }
0x8c: {  	s17 =	sadd.s32 $0x1, s17;
	v2 =	vadd.f32 v63, v2  }
0x8d: {  	s18 =	sadd.s32 $0x10, s18;
	p0 =	sne.s32 s17, s7  }
.Ltmp3:
0x8e: {  	[tilespmem:s18+$0x0] =	vst v2;
	(pc) =	sbr.rel @p0 .LBB2_1-.Ltmp3, $4  }
0x8f: {  	[hbm4b:s6+s8] =	stream.strided.scatter [tilespmem:s16], [sflag:$0x1], $0x280, s15, s8, $0x38;
	[tilespmem:$0xA200] =	vst v63  }
0x90: {  	_ =	swait.ge [sflag:s10], $0x280  }
0x91: {  	[sflag:s10] =	ssyncset.done $0x0  }
0x92: {  	[sflag:s10] =	ssyncadd.s32 $0xFFFFFD80  }
0x93: {  	_ =	sfence.sel $0x180000  }
0x94: {  	[bflag:$0x0] =	sbarrier.arrive $0xFFFF  }
0x95: {  	p0 =	sne.s32 s0, $0x0;
	_ =	strace $0x90000047  }
0x96: {  	s0 =	sadd.s32 @!p0 $0x100000, s1;
	[bflag:$0x2] =	sbarrier.arrive $0xFFFF  }
0x97: {  	[sflag:s0] =	ssyncadd.tile.s32 @!p0 $0x1;
	_ =	shalt  }
.Lfunc_end2:
_tile_overlayer_lowered:
.L_overlay_start_2:
0x98: {  	(tag) =	ssettag $0x2  }
0x99: {  	s0 =	rddreg [dreg:$0x0];
	s2 =	stileid.u32  }
0x9a: {  	s1 =	rddreg [dreg:$0x1];
	p0 =	sne.s32 s2, $0x0  }
0x9b: {  	s3 =	rddreg [dreg:$0x2];
	[bflag:$0x3] =	sbarrier.arrive $0xFFFF;
	s2 =	simm.s32 @!p0 $0x1C01  }
0x9c: {  	[timem:s3], [sflag:s2] =	dma.local @!p0 [hbm:s0], s1  }
0x9d: {  	s0 =	simm.s32 @!p0 $0x1  }
0x9e: {  	_ =	swait.ge @!p0 [sflag:s0], s1  }
0x9f: {  	s1 =	ssub.s32 @!p0 $0x0, s1;
	[sflag:s0] =	ssyncset.done @!p0 $0x0  }
0xa0: {  	[sflag:s0] =	ssyncadd.s32 @!p0 s1  }
0xa1: {  	[bflag:$0x3] =	sbarrier.arrive $0xFFFF  }
0xa2: {  	_ =	shalt  }

</sc_bundles>
